<compile_context>
chip_gen: v7x
topology: tpu7x:2x2x1
jax: 0.10.2.dev20260603
libtpu: 0.0.44.dev20260713+nightly
codegen_flags: <defaults>
</compile_context>

<pallas_src>
import functools

import jax
import jax.numpy as jnp
from jax import lax
from jax.experimental import pallas as pl
from jax.experimental.pallas import tpu as pltpu
from jax.experimental.pallas import tpu_sc as plsc

BATCH = 16384
IN_F = 512
OUT_F = 64

NC = 2
NS = 16
L = 16
NW = NC * NS
ROWS_W = BATCH // NW
CHUNK = 64
NCHUNK = ROWS_W // CHUNK
NQ = CHUNK // L


def _sc_gather(x, columns):
    mesh = plsc.VectorSubcoreMesh(core_axis_name="c", subcore_axis_name="s")

    @functools.partial(
        pl.kernel,
        mesh=mesh,
        out_type=jax.ShapeDtypeStruct((OUT_F, BATCH), jnp.float32),
        compiler_params=pltpu.CompilerParams(
            needs_layout_passes=False,
            skip_device_barrier=True,
        ),
        scratch_types=[
            pltpu.VMEM((OUT_F + L,), jnp.int32),
            pltpu.VMEM((CHUNK, IN_F), jnp.float32),
            pltpu.VMEM((CHUNK, IN_F), jnp.float32),
            pltpu.VMEM((OUT_F, ROWS_W), jnp.float32),
            pltpu.SemaphoreType.DMA,
            pltpu.SemaphoreType.DMA,
            pltpu.SemaphoreType.DMA,
        ],
    )
    def k(x_hbm, cols_hbm, out_hbm, cols_v, in0, in1, ob, is0, is1, osem):
        wid = lax.axis_index("s") * NC + lax.axis_index("c")
        base = wid * ROWS_W
        pltpu.sync_copy(cols_hbm, cols_v.at[pl.ds(0, OUT_F)])
        row_vecs = [lax.iota(jnp.int32, L) + q * L for q in range(NQ)]
        ins = [in0, in1]
        isem = [is0, is1]

        def start_load(ci, slot):
            row0 = base + (ci % NCHUNK) * CHUNK
            return pltpu.async_copy(
                x_hbm.at[pl.ds(row0, CHUNK)], ins[slot], isem[slot]
            )

        def wait_load(slot):
            pltpu.make_async_copy(
                x_hbm.at[pl.ds(base, CHUNK)], ins[slot], isem[slot]
            ).wait()

        def compute(ib, ci):
            @plsc.parallel_loop(0, OUT_F, unroll=8)
            def j_body(j):
                cvec = cols_v[pl.ds(j, L)]
                csplat = jnp.zeros((L,), jnp.int32) + cvec[0]
                for q in range(NQ):
                    vals = plsc.load_gather(ib, [row_vecs[q], csplat])
                    ob[j, pl.ds(ci * CHUNK + q * L, L)] = vals

        start_load(0, 0)

        def group_body(t, _):
            start_load(2 * t + 1, 1)
            wait_load(0)
            compute(ins[0], 2 * t)
            start_load(2 * t + 2, 0)
            wait_load(1)
            compute(ins[1], 2 * t + 1)
            return 0

        lax.fori_loop(0, NCHUNK // 2, group_body, 0)
        wait_load(0)
        pltpu.async_copy(
            ob, out_hbm.at[:, pl.ds(base, ROWS_W)], osem
        ).wait()

    return k(x, columns)


def kernel(x, columns):
    return _sc_gather(x, columns).T

# --- scband reference (transcript-rebuilt; emitter-appended) ---
"""Pipeline reference for scband-dimensionality-reduction-12266426597706 (READ-ONLY COPY).

The authoritative reference and input builder live on the scoring server;
editing this copy changes nothing except your own understanding.
"""

import jax, jax.numpy as jnp
import numpy as np

BATCH = 16384
IN_FEATURES = 512
OUT_FEATURES = 64


def setup_inputs(seed: int = 0) -> dict:
    key = jax.random.key(seed)
    kx, kc = jax.random.split(key)
    x = jax.random.normal(kx, (BATCH, IN_FEATURES), dtype=jnp.float32)
    # 'columns' stands in for the top-k correlated column indices the torch
    # module computes from the dataframe at __init__ time. It is a fixed
    # integer index set (a buffer, not a trainable parameter).
    columns = jax.random.randint(kc, (OUT_FEATURES,), 0, IN_FEATURES, dtype=jnp.int32)
    return {"x": x, "columns": columns}


def reference(x, columns):
    # torch: reduced_x = x[:, self.columns].squeeze()
    reduced = jnp.take(x, columns, axis=1)
    return jnp.squeeze(reduced)

if __name__ == "__main__":
    import jax
    _d = setup_inputs()
    print(jax.jit(kernel)(*tuple(_d.values())))

</pallas_src>

<mosaic_0001>
#map = affine_map<(d0, d1) -> (0, 0)>
#map1 = affine_map<(d0, d1) -> (0)>
module attributes {stable_mosaic.version = 14 : i64} {
  func.func @k(%arg0: i32, %arg1: i32, %arg2: memref<16384x512xf32, #tpu.memory_space<hbm>>, %arg3: memref<64xi32, #tpu.memory_space<hbm>>, %arg4: memref<64x16384xf32, #tpu.memory_space<hbm>>, %arg5: memref<80xi32, #tpu.memory_space<vmem>>, %arg6: memref<64x512xf32, #tpu.memory_space<vmem>>, %arg7: memref<64x512xf32, #tpu.memory_space<vmem>>, %arg8: memref<64x512xf32, #tpu.memory_space<vmem>>, %arg9: memref<!tpu.dma_semaphore, #tpu.memory_space<semaphore_mem>>, %arg10: memref<!tpu.dma_semaphore, #tpu.memory_space<semaphore_mem>>, %arg11: memref<!tpu.dma_semaphore, #tpu.memory_space<semaphore_mem>>) attributes {dimension_semantics = [#tpu.dimension_semantics<core_parallel>, #tpu.dimension_semantics<subcore_parallel>], iteration_bounds = array<i64: 2, 16>, scalar_prefetch = 0 : i64, scratch_operands = 7 : i64, tpu.core_type = #tpu.core_type<sc_vector_subcore>, window_params = [{transform_indices = #map}, {transform_indices = #map1}, {transform_indices = #map}]} {
    %mul3A = arith.constant 2 : i32
    %mul3A_0 = arith.muli %arg1, %mul3A : i32
    %add3A = arith.addi %mul3A_0, %arg0 : i32
    %mul3A_1 = arith.constant 512 : i32
    %mul3A_2 = arith.muli %add3A, %mul3A_1 : i32
    "tpu.region"() ({
      %run_scoped3A = tpu.sem_alloc : memref<!tpu.dma_semaphore, #tpu.memory_space<semaphore_mem>>
      %dma_start3A_40 = arith.constant 0 : i32
      %dma_start3A_41 = tpu.memref_slice %arg5[%dma_start3A_40] : memref<80xi32, #tpu.memory_space<vmem>> -> memref<64xi32, #tpu.memory_space<vmem>>
      %dma_start3A_42 = arith.constant 0 : i32
      %dma_start3A_43 = tpu.memref_slice %arg5[%dma_start3A_42] : memref<80xi32, #tpu.memory_space<vmem>> -> memref<64xi32, #tpu.memory_space<vmem>>
      tpu.enqueue_dma source(%arg3 : memref<64xi32, #tpu.memory_space<hbm>>) target(%dma_start3A_43 : memref<64xi32, #tpu.memory_space<vmem>>) target_semaphore(%run_scoped3A : memref<!tpu.dma_semaphore, #tpu.memory_space<semaphore_mem>>)
      %dma_wait3A_44 = arith.constant 0 : i32
      %dma_wait3A_45 = tpu.memref_slice %arg5[%dma_wait3A_44] : memref<80xi32, #tpu.memory_space<vmem>> -> memref<64xi32, #tpu.memory_space<vmem>>
      %dma_wait3A_46 = arith.constant 0 : i32
      %dma_wait3A_47 = tpu.memref_slice %arg5[%dma_wait3A_46] : memref<80xi32, #tpu.memory_space<vmem>> -> memref<64xi32, #tpu.memory_space<vmem>>
      tpu.wait_dma2 semaphore(%run_scoped3A : memref<!tpu.dma_semaphore, #tpu.memory_space<semaphore_mem>>) src(%arg3 : memref<64xi32, #tpu.memory_space<hbm>>) dst(%dma_wait3A_47 : memref<64xi32, #tpu.memory_space<vmem>>)
      tpu.yield
    }) : () -> ()
    %iota3A = tpu.iota {dimensions = array<i32: 0>} : vector<16xi32>
    %add3A_3 = arith.constant 0 : i32
    %add3A_4 = vector.broadcast %add3A_3 : i32 to vector<16xi32>
    %add3A_5 = arith.addi %iota3A, %add3A_4 : vector<16xi32>
    %iota3A_6 = tpu.iota {dimensions = array<i32: 0>} : vector<16xi32>
    %add3A_7 = arith.constant 16 : i32
    %add3A_8 = vector.broadcast %add3A_7 : i32 to vector<16xi32>
    %add3A_9 = arith.addi %iota3A_6, %add3A_8 : vector<16xi32>
    %iota3A_10 = tpu.iota {dimensions = array<i32: 0>} : vector<16xi32>
    %add3A_11 = arith.constant 32 : i32
    %add3A_12 = vector.broadcast %add3A_11 : i32 to vector<16xi32>
    %add3A_13 = arith.addi %iota3A_10, %add3A_12 : vector<16xi32>
    %iota3A_14 = tpu.iota {dimensions = array<i32: 0>} : vector<16xi32>
    %add3A_15 = arith.constant 48 : i32
    %add3A_16 = vector.broadcast %add3A_15 : i32 to vector<16xi32>
    %add3A_17 = arith.addi %iota3A_14, %add3A_16 : vector<16xi32>
    %add3A_18 = arith.constant 0 : i32
    %add3A_19 = arith.addi %mul3A_2, %add3A_18 : i32
    %dma_start3A = arith.constant 0 : i32
    %dma_start3A_20 = tpu.memref_slice %arg2[%add3A_19, %dma_start3A] : memref<16384x512xf32, #tpu.memory_space<hbm>> -> memref<64x512xf32, #tpu.memory_space<hbm>>
    %dma_start3A_21 = arith.constant 0 : i32
    %dma_start3A_22 = tpu.memref_slice %arg2[%add3A_19, %dma_start3A_21] : memref<16384x512xf32, #tpu.memory_space<hbm>> -> memref<64x512xf32, #tpu.memory_space<hbm>>
    tpu.enqueue_dma source(%dma_start3A_22 : memref<64x512xf32, #tpu.memory_space<hbm>>) target(%arg6 : memref<64x512xf32, #tpu.memory_space<vmem>>) target_semaphore(%arg9 : memref<!tpu.dma_semaphore, #tpu.memory_space<semaphore_mem>>)
    %scan3A = arith.constant 0 : i32
    %scan3A_23 = arith.constant 0 : i32
    %scan3A_24 = arith.constant 4 : i32
    %scan3A_25 = arith.addi %scan3A_23, %scan3A_24 : i32
    %scan3A_26 = arith.constant 1 : i32
    %scan3A_27 = scf.for %scan3A_40 = %scan3A_23 to %scan3A_25 step %scan3A_26 iter_args(%scan3A_41 = %scan3A) -> (i32)  : i32 {
      %mul3A_42 = arith.constant 2 : i32
      %mul3A_43 = arith.muli %mul3A_42, %scan3A_40 : i32
      %add3A_44 = arith.constant 1 : i32
      %add3A_45 = arith.addi %mul3A_43, %add3A_44 : i32
      %jit3A = arith.constant 8 : i32
      %eq3A = arith.constant 0 : i32
      %eq3A_46 = arith.cmpi eq, %jit3A, %eq3A : i32
      %jit3A_47 = arith.constant 1 : i32
      %select_n3A = arith.select %eq3A_46, %jit3A_47, %jit3A : i32
      %rem3A = arith.remsi %add3A_45, %select_n3A : i32
      %ne3A = arith.constant 0 : i32
      %ne3A_48 = arith.cmpi ne, %rem3A, %ne3A : i32
      %lt3A = arith.constant 0 : i32
      %lt3A_49 = arith.cmpi slt, %rem3A, %lt3A : i32
      %lt3A_50 = arith.constant 0 : i32
      %lt3A_51 = arith.cmpi slt, %select_n3A, %lt3A_50 : i32
      %ne3A_52 = arith.xori %lt3A_49, %lt3A_51 : i1
      %and3A = arith.andi %ne3A_52, %ne3A_48 : i1
      %add3A_53 = arith.addi %rem3A, %select_n3A : i32
      %select_n3A_54 = arith.select %and3A, %add3A_53, %rem3A : i32
      %mul3A_55 = arith.constant 64 : i32
      %mul3A_56 = arith.muli %select_n3A_54, %mul3A_55 : i32
      %add3A_57 = arith.addi %mul3A_2, %mul3A_56 : i32
      %dma_start3A_58 = arith.constant 0 : i32
      %dma_start3A_59 = tpu.memref_slice %arg2[%add3A_57, %dma_start3A_58] : memref<16384x512xf32, #tpu.memory_space<hbm>> -> memref<64x512xf32, #tpu.memory_space<hbm>>
      %dma_start3A_60 = arith.constant 0 : i32
      %dma_start3A_61 = tpu.memref_slice %arg2[%add3A_57, %dma_start3A_60] : memref<16384x512xf32, #tpu.memory_space<hbm>> -> memref<64x512xf32, #tpu.memory_space<hbm>>
      tpu.enqueue_dma source(%dma_start3A_61 : memref<64x512xf32, #tpu.memory_space<hbm>>) target(%arg7 : memref<64x512xf32, #tpu.memory_space<vmem>>) target_semaphore(%arg10 : memref<!tpu.dma_semaphore, #tpu.memory_space<semaphore_mem>>)
      %dma_wait3A_62 = arith.constant 0 : i32
      %dma_wait3A_63 = tpu.memref_slice %arg2[%mul3A_2, %dma_wait3A_62] : memref<16384x512xf32, #tpu.memory_space<hbm>> -> memref<64x512xf32, #tpu.memory_space<hbm>>
      %dma_wait3A_64 = arith.constant 0 : i32
      %dma_wait3A_65 = tpu.memref_slice %arg2[%mul3A_2, %dma_wait3A_64] : memref<16384x512xf32, #tpu.memory_space<hbm>> -> memref<64x512xf32, #tpu.memory_space<hbm>>
      tpu.wait_dma2 semaphore(%arg9 : memref<!tpu.dma_semaphore, #tpu.memory_space<semaphore_mem>>) src(%dma_wait3A_65 : memref<64x512xf32, #tpu.memory_space<hbm>>) dst(%arg6 : memref<64x512xf32, #tpu.memory_space<vmem>>)
      %mul3A_66 = arith.constant 2 : i32
      %mul3A_67 = arith.muli %mul3A_66, %scan3A_40 : i32
      %parallel_loop3A = arith.constant 0 : i32
      %parallel_loop3A_68 = arith.constant 64 : i32
      %parallel_loop3A_69 = arith.constant 1 : i32
      scf.for %parallel_loop3A_109 = %parallel_loop3A to %parallel_loop3A_68 step %parallel_loop3A_69  : i32 {
        %parallel_loop3A_110 = arith.index_cast %parallel_loop3A_109 : i32 to index
        %parallel_loop3A_111 = tpu.vector_load %arg5[%parallel_loop3A_110] {strides = array<i32>} : memref<80xi32, #tpu.memory_space<vmem>>, vector<16xi32>,
        %parallel_loop3A_112 = arith.constant 0 : i32
        %parallel_loop3A_113 = vector.broadcast %parallel_loop3A_112 : i32 to vector<16xi32>
        %parallel_loop3A_114 = vector.extract_strided_slice %parallel_loop3A_111 {offsets = [0], sizes = [1], strides = [1]} : vector<16xi32> to vector<1xi32>
        %parallel_loop3A_115 = vector.extract %parallel_loop3A_114[0] : i32 from vector<1xi32>
        %parallel_loop3A_116 = vector.broadcast %parallel_loop3A_115 : i32 to vector<16xi32>
        %parallel_loop3A_117 = arith.addi %parallel_loop3A_113, %parallel_loop3A_116 : vector<16xi32>
        %parallel_loop3A_118 = tpu.vector_load_idx %arg6[%add3A_5, %parallel_loop3A_117] : memref<64x512xf32, #tpu.memory_space<vmem>>[vector<16xi32>, vector<16xi32>], vector<16xf32>,
        %parallel_loop3A_119 = arith.constant 64 : i32
        %parallel_loop3A_120 = arith.muli %mul3A_67, %parallel_loop3A_119 : i32
        %parallel_loop3A_121 = arith.constant 0 : i32
        %parallel_loop3A_122 = arith.addi %parallel_loop3A_120, %parallel_loop3A_121 : i32
        %parallel_loop3A_123 = arith.index_cast %parallel_loop3A_109 : i32 to index
        %parallel_loop3A_124 = arith.index_cast %parallel_loop3A_122 : i32 to index
        %parallel_loop3A_125 = tpu.vector_load %arg8[%parallel_loop3A_123, %parallel_loop3A_124] {strides = array<i32>} : memref<64x512xf32, #tpu.memory_space<vmem>>, vector<16xf32>,
        tpu.vector_store %arg8[%parallel_loop3A_123, %parallel_loop3A_124], %parallel_loop3A_118 {strides = array<i32>} : memref<64x512xf32, #tpu.memory_space<vmem>>, vector<16xf32>,
        %parallel_loop3A_126 = tpu.vector_load_idx %arg6[%add3A_9, %parallel_loop3A_117] : memref<64x512xf32, #tpu.memory_space<vmem>>[vector<16xi32>, vector<16xi32>], vector<16xf32>,
        %parallel_loop3A_127 = arith.constant 64 : i32
        %parallel_loop3A_128 = arith.muli %mul3A_67, %parallel_loop3A_127 : i32
        %parallel_loop3A_129 = arith.constant 16 : i32
        %parallel_loop3A_130 = arith.addi %parallel_loop3A_128, %parallel_loop3A_129 : i32
        %parallel_loop3A_131 = arith.index_cast %parallel_loop3A_109 : i32 to index
        %parallel_loop3A_132 = arith.index_cast %parallel_loop3A_130 : i32 to index
        %parallel_loop3A_133 = tpu.vector_load %arg8[%parallel_loop3A_131, %parallel_loop3A_132] {strides = array<i32>} : memref<64x512xf32, #tpu.memory_space<vmem>>, vector<16xf32>,
        tpu.vector_store %arg8[%parallel_loop3A_131, %parallel_loop3A_132], %parallel_loop3A_126 {strides = array<i32>} : memref<64x512xf32, #tpu.memory_space<vmem>>, vector<16xf32>,
        %parallel_loop3A_134 = tpu.vector_load_idx %arg6[%add3A_13, %parallel_loop3A_117] : memref<64x512xf32, #tpu.memory_space<vmem>>[vector<16xi32>, vector<16xi32>], vector<16xf32>,
        %parallel_loop3A_135 = arith.constant 64 : i32
        %parallel_loop3A_136 = arith.muli %mul3A_67, %parallel_loop3A_135 : i32
        %parallel_loop3A_137 = arith.constant 32 : i32
        %parallel_loop3A_138 = arith.addi %parallel_loop3A_136, %parallel_loop3A_137 : i32
        %parallel_loop3A_139 = arith.index_cast %parallel_loop3A_109 : i32 to index
        %parallel_loop3A_140 = arith.index_cast %parallel_loop3A_138 : i32 to index
        %parallel_loop3A_141 = tpu.vector_load %arg8[%parallel_loop3A_139, %parallel_loop3A_140] {strides = array<i32>} : memref<64x512xf32, #tpu.memory_space<vmem>>, vector<16xf32>,
        tpu.vector_store %arg8[%parallel_loop3A_139, %parallel_loop3A_140], %parallel_loop3A_134 {strides = array<i32>} : memref<64x512xf32, #tpu.memory_space<vmem>>, vector<16xf32>,
        %parallel_loop3A_142 = tpu.vector_load_idx %arg6[%add3A_17, %parallel_loop3A_117] : memref<64x512xf32, #tpu.memory_space<vmem>>[vector<16xi32>, vector<16xi32>], vector<16xf32>,
        %parallel_loop3A_143 = arith.constant 64 : i32
        %parallel_loop3A_144 = arith.muli %mul3A_67, %parallel_loop3A_143 : i32
        %parallel_loop3A_145 = arith.constant 48 : i32
        %parallel_loop3A_146 = arith.addi %parallel_loop3A_144, %parallel_loop3A_145 : i32
        %parallel_loop3A_147 = arith.index_cast %parallel_loop3A_109 : i32 to index
        %parallel_loop3A_148 = arith.index_cast %parallel_loop3A_146 : i32 to index
        %parallel_loop3A_149 = tpu.vector_load %arg8[%parallel_loop3A_147, %parallel_loop3A_148] {strides = array<i32>} : memref<64x512xf32, #tpu.memory_space<vmem>>, vector<16xf32>,
        tpu.vector_store %arg8[%parallel_loop3A_147, %parallel_loop3A_148], %parallel_loop3A_142 {strides = array<i32>} : memref<64x512xf32, #tpu.memory_space<vmem>>, vector<16xf32>,
      } {sc.loop_unroll_factor = 8 : i64, sc.parallel_access}
      %mul3A_70 = arith.constant 2 : i32
      %mul3A_71 = arith.muli %mul3A_70, %scan3A_40 : i32
      %add3A_72 = arith.constant 2 : i32
      %add3A_73 = arith.addi %mul3A_71, %add3A_72 : i32
      %jit3A_74 = arith.constant 8 : i32
      %eq3A_75 = arith.constant 0 : i32
      %eq3A_76 = arith.cmpi eq, %jit3A_74, %eq3A_75 : i32
      %jit3A_77 = arith.constant 1 : i32
      %select_n3A_78 = arith.select %eq3A_76, %jit3A_77, %jit3A_74 : i32
      %rem3A_79 = arith.remsi %add3A_73, %select_n3A_78 : i32
      %ne3A_80 = arith.constant 0 : i32
      %ne3A_81 = arith.cmpi ne, %rem3A_79, %ne3A_80 : i32
      %lt3A_82 = arith.constant 0 : i32
      %lt3A_83 = arith.cmpi slt, %rem3A_79, %lt3A_82 : i32
      %lt3A_84 = arith.constant 0 : i32
      %lt3A_85 = arith.cmpi slt, %select_n3A_78, %lt3A_84 : i32
      %ne3A_86 = arith.xori %lt3A_83, %lt3A_85 : i1
      %and3A_87 = arith.andi %ne3A_86, %ne3A_81 : i1
      %add3A_88 = arith.addi %rem3A_79, %select_n3A_78 : i32
      %select_n3A_89 = arith.select %and3A_87, %add3A_88, %rem3A_79 : i32
      %mul3A_90 = arith.constant 64 : i32
      %mul3A_91 = arith.muli %select_n3A_89, %mul3A_90 : i32
      %add3A_92 = arith.addi %mul3A_2, %mul3A_91 : i32
      %dma_start3A_93 = arith.constant 0 : i32
      %dma_start3A_94 = tpu.memref_slice %arg2[%add3A_92, %dma_start3A_93] : memref<16384x512xf32, #tpu.memory_space<hbm>> -> memref<64x512xf32, #tpu.memory_space<hbm>>
      %dma_start3A_95 = arith.constant 0 : i32
      %dma_start3A_96 = tpu.memref_slice %arg2[%add3A_92, %dma_start3A_95] : memref<16384x512xf32, #tpu.memory_space<hbm>> -> memref<64x512xf32, #tpu.memory_space<hbm>>
      tpu.enqueue_dma source(%dma_start3A_96 : memref<64x512xf32, #tpu.memory_space<hbm>>) target(%arg6 : memref<64x512xf32, #tpu.memory_space<vmem>>) target_semaphore(%arg9 : memref<!tpu.dma_semaphore, #tpu.memory_space<semaphore_mem>>)
      %dma_wait3A_97 = arith.constant 0 : i32
      %dma_wait3A_98 = tpu.memref_slice %arg2[%mul3A_2, %dma_wait3A_97] : memref<16384x512xf32, #tpu.memory_space<hbm>> -> memref<64x512xf32, #tpu.memory_space<hbm>>
      %dma_wait3A_99 = arith.constant 0 : i32
      %dma_wait3A_100 = tpu.memref_slice %arg2[%mul3A_2, %dma_wait3A_99] : memref<16384x512xf32, #tpu.memory_space<hbm>> -> memref<64x512xf32, #tpu.memory_space<hbm>>
      tpu.wait_dma2 semaphore(%arg10 : memref<!tpu.dma_semaphore, #tpu.memory_space<semaphore_mem>>) src(%dma_wait3A_100 : memref<64x512xf32, #tpu.memory_space<hbm>>) dst(%arg7 : memref<64x512xf32, #tpu.memory_space<vmem>>)
      %mul3A_101 = arith.constant 2 : i32
      %mul3A_102 = arith.muli %mul3A_101, %scan3A_40 : i32
      %add3A_103 = arith.constant 1 : i32
      %add3A_104 = arith.addi %mul3A_102, %add3A_103 : i32
      %parallel_loop3A_105 = arith.constant 0 : i32
      %parallel_loop3A_106 = arith.constant 64 : i32
      %parallel_loop3A_107 = arith.constant 1 : i32
      scf.for %parallel_loop3A_109 = %parallel_loop3A_105 to %parallel_loop3A_106 step %parallel_loop3A_107  : i32 {
        %parallel_loop3A_110 = arith.index_cast %parallel_loop3A_109 : i32 to index
        %parallel_loop3A_111 = tpu.vector_load %arg5[%parallel_loop3A_110] {strides = array<i32>} : memref<80xi32, #tpu.memory_space<vmem>>, vector<16xi32>,
        %parallel_loop3A_112 = arith.constant 0 : i32
        %parallel_loop3A_113 = vector.broadcast %parallel_loop3A_112 : i32 to vector<16xi32>
        %parallel_loop3A_114 = vector.extract_strided_slice %parallel_loop3A_111 {offsets = [0], sizes = [1], strides = [1]} : vector<16xi32> to vector<1xi32>
        %parallel_loop3A_115 = vector.extract %parallel_loop3A_114[0] : i32 from vector<1xi32>
        %parallel_loop3A_116 = vector.broadcast %parallel_loop3A_115 : i32 to vector<16xi32>
        %parallel_loop3A_117 = arith.addi %parallel_loop3A_113, %parallel_loop3A_116 : vector<16xi32>
        %parallel_loop3A_118 = tpu.vector_load_idx %arg7[%add3A_5, %parallel_loop3A_117] : memref<64x512xf32, #tpu.memory_space<vmem>>[vector<16xi32>, vector<16xi32>], vector<16xf32>,
        %parallel_loop3A_119 = arith.constant 64 : i32
        %parallel_loop3A_120 = arith.muli %add3A_104, %parallel_loop3A_119 : i32
        %parallel_loop3A_121 = arith.constant 0 : i32
        %parallel_loop3A_122 = arith.addi %parallel_loop3A_120, %parallel_loop3A_121 : i32
        %parallel_loop3A_123 = arith.index_cast %parallel_loop3A_109 : i32 to index
        %parallel_loop3A_124 = arith.index_cast %parallel_loop3A_122 : i32 to index
        %parallel_loop3A_125 = tpu.vector_load %arg8[%parallel_loop3A_123, %parallel_loop3A_124] {strides = array<i32>} : memref<64x512xf32, #tpu.memory_space<vmem>>, vector<16xf32>,
        tpu.vector_store %arg8[%parallel_loop3A_123, %parallel_loop3A_124], %parallel_loop3A_118 {strides = array<i32>} : memref<64x512xf32, #tpu.memory_space<vmem>>, vector<16xf32>,
        %parallel_loop3A_126 = tpu.vector_load_idx %arg7[%add3A_9, %parallel_loop3A_117] : memref<64x512xf32, #tpu.memory_space<vmem>>[vector<16xi32>, vector<16xi32>], vector<16xf32>,
        %parallel_loop3A_127 = arith.constant 64 : i32
        %parallel_loop3A_128 = arith.muli %add3A_104, %parallel_loop3A_127 : i32
        %parallel_loop3A_129 = arith.constant 16 : i32
        %parallel_loop3A_130 = arith.addi %parallel_loop3A_128, %parallel_loop3A_129 : i32
        %parallel_loop3A_131 = arith.index_cast %parallel_loop3A_109 : i32 to index
        %parallel_loop3A_132 = arith.index_cast %parallel_loop3A_130 : i32 to index
        %parallel_loop3A_133 = tpu.vector_load %arg8[%parallel_loop3A_131, %parallel_loop3A_132] {strides = array<i32>} : memref<64x512xf32, #tpu.memory_space<vmem>>, vector<16xf32>,
        tpu.vector_store %arg8[%parallel_loop3A_131, %parallel_loop3A_132], %parallel_loop3A_126 {strides = array<i32>} : memref<64x512xf32, #tpu.memory_space<vmem>>, vector<16xf32>,
        %parallel_loop3A_134 = tpu.vector_load_idx %arg7[%add3A_13, %parallel_loop3A_117] : memref<64x512xf32, #tpu.memory_space<vmem>>[vector<16xi32>, vector<16xi32>], vector<16xf32>,
        %parallel_loop3A_135 = arith.constant 64 : i32
        %parallel_loop3A_136 = arith.muli %add3A_104, %parallel_loop3A_135 : i32
        %parallel_loop3A_137 = arith.constant 32 : i32
        %parallel_loop3A_138 = arith.addi %parallel_loop3A_136, %parallel_loop3A_137 : i32
        %parallel_loop3A_139 = arith.index_cast %parallel_loop3A_109 : i32 to index
        %parallel_loop3A_140 = arith.index_cast %parallel_loop3A_138 : i32 to index
        %parallel_loop3A_141 = tpu.vector_load %arg8[%parallel_loop3A_139, %parallel_loop3A_140] {strides = array<i32>} : memref<64x512xf32, #tpu.memory_space<vmem>>, vector<16xf32>,
        tpu.vector_store %arg8[%parallel_loop3A_139, %parallel_loop3A_140], %parallel_loop3A_134 {strides = array<i32>} : memref<64x512xf32, #tpu.memory_space<vmem>>, vector<16xf32>,
        %parallel_loop3A_142 = tpu.vector_load_idx %arg7[%add3A_17, %parallel_loop3A_117] : memref<64x512xf32, #tpu.memory_space<vmem>>[vector<16xi32>, vector<16xi32>], vector<16xf32>,
        %parallel_loop3A_143 = arith.constant 64 : i32
        %parallel_loop3A_144 = arith.muli %add3A_104, %parallel_loop3A_143 : i32
        %parallel_loop3A_145 = arith.constant 48 : i32
        %parallel_loop3A_146 = arith.addi %parallel_loop3A_144, %parallel_loop3A_145 : i32
        %parallel_loop3A_147 = arith.index_cast %parallel_loop3A_109 : i32 to index
        %parallel_loop3A_148 = arith.index_cast %parallel_loop3A_146 : i32 to index
        %parallel_loop3A_149 = tpu.vector_load %arg8[%parallel_loop3A_147, %parallel_loop3A_148] {strides = array<i32>} : memref<64x512xf32, #tpu.memory_space<vmem>>, vector<16xf32>,
        tpu.vector_store %arg8[%parallel_loop3A_147, %parallel_loop3A_148], %parallel_loop3A_142 {strides = array<i32>} : memref<64x512xf32, #tpu.memory_space<vmem>>, vector<16xf32>,
      } {sc.loop_unroll_factor = 8 : i64, sc.parallel_access}
      %scan3A_108 = arith.constant 0 : i32
      scf.yield %scan3A_108 : i32
    }
    %scan3A_28 = arith.constant 4 : i32
    %dma_wait3A = arith.constant 0 : i32
    %dma_wait3A_29 = tpu.memref_slice %arg2[%mul3A_2, %dma_wait3A] : memref<16384x512xf32, #tpu.memory_space<hbm>> -> memref<64x512xf32, #tpu.memory_space<hbm>>
    %dma_wait3A_30 = arith.constant 0 : i32
    %dma_wait3A_31 = tpu.memref_slice %arg2[%mul3A_2, %dma_wait3A_30] : memref<16384x512xf32, #tpu.memory_space<hbm>> -> memref<64x512xf32, #tpu.memory_space<hbm>>
    tpu.wait_dma2 semaphore(%arg9 : memref<!tpu.dma_semaphore, #tpu.memory_space<semaphore_mem>>) src(%dma_wait3A_31 : memref<64x512xf32, #tpu.memory_space<hbm>>) dst(%arg6 : memref<64x512xf32, #tpu.memory_space<vmem>>)
    %dma_start3A_32 = arith.constant 0 : i32
    %dma_start3A_33 = tpu.memref_slice %arg4[%dma_start3A_32, %mul3A_2] : memref<64x16384xf32, #tpu.memory_space<hbm>> -> memref<64x512xf32, #tpu.memory_space<hbm>>
    %dma_start3A_34 = arith.constant 0 : i32
    %dma_start3A_35 = tpu.memref_slice %arg4[%dma_start3A_34, %mul3A_2] : memref<64x16384xf32, #tpu.memory_space<hbm>> -> memref<64x512xf32, #tpu.memory_space<hbm>>
    tpu.enqueue_dma source(%arg8 : memref<64x512xf32, #tpu.memory_space<vmem>>) target(%dma_start3A_35 : memref<64x512xf32, #tpu.memory_space<hbm>>) target_semaphore(%arg11 : memref<!tpu.dma_semaphore, #tpu.memory_space<semaphore_mem>>)
    %dma_wait3A_36 = arith.constant 0 : i32
    %dma_wait3A_37 = tpu.memref_slice %arg4[%dma_wait3A_36, %mul3A_2] : memref<64x16384xf32, #tpu.memory_space<hbm>> -> memref<64x512xf32, #tpu.memory_space<hbm>>
    %dma_wait3A_38 = arith.constant 0 : i32
    %dma_wait3A_39 = tpu.memref_slice %arg4[%dma_wait3A_38, %mul3A_2] : memref<64x16384xf32, #tpu.memory_space<hbm>> -> memref<64x512xf32, #tpu.memory_space<hbm>>
    tpu.wait_dma2 semaphore(%arg11 : memref<!tpu.dma_semaphore, #tpu.memory_space<semaphore_mem>>) src(%arg8 : memref<64x512xf32, #tpu.memory_space<vmem>>) dst(%dma_wait3A_39 : memref<64x512xf32, #tpu.memory_space<hbm>>)
    return
  }
}

</mosaic_0001>

<sc_bundles>
// kernel: kernel.3.cloned.1.call-start
scs
__scs_entry_jumppad:
0x0: {  	(pc) =	sbr.rel $0x88, $3  }
0x1: {  	(tag) =	ssettag $0x0;
	lr =	simm.s32 $0x1  }
0x2: {  	[smem:$0x3F9F] =	sst lr;
	_ =	strace $0xD0000000  }
0x3: {  	_ = 	snop  }
0x4: {  	_ = 	snop  }
0x5: {  	_ = 	snop  }
0x6: {  	_ = 	snop  }
0x7: {  	_ = 	snop  }
__scs_overlays_trampoline_lowered:
0x8: {  	[smem:$0x3FAE] =	sst s0  }
0x9: {  	[smem:$0x3FAF] =	sst s1  }
0xa: {  	[smem:$0x3FB0] =	sst s2  }
0xb: {  	[smem:$0x3FB1] =	sst s3  }
0xc: {  	[smem:$0x3FB2] =	sst s4  }
0xd: {  	[smem:$0x3FB3] =	sst s5  }
0xe: {  	[smem:$0x3FB4] =	sst s6  }
0xf: {  	[smem:$0x3FB5] =	sst s7  }
0x10: {  	[smem:$0x3FB6] =	sst s8  }
0x11: {  	[smem:$0x3FB7] =	sst s9;
	s0 =	simm.s32 @!p0 $0x0  }
0x12: {  	s1 =	sld [smem:$0x3F9D];
	s0 =	simm.s32 @p0 $0x1  }
0x13: {  	[smem:$0x3FB8] =	sst s0;
	s0 =	simm.s32 @!p1 $0x0  }
0x14: {  	s2 =	sld [smem:$0x3F9C];
	s0 =	simm.s32 @p1 $0x1  }
0x15: {  	[smem:$0x3FB9] =	sst s0;
	s0 =	simm.s32 @!p2 $0x0  }
0x16: {  	s3 =	sld [smem:$0x3FDB];
	s0 =	simm.s32 @p2 $0x1  }
0x17: {  	s4 =	simm.s32 $0x1BF5;
	[smem:$0x3FBB] =	sst s0  }
0x18: {  	s0 =	sld [smem:$0x3F9E];
	_ =	swait.ge [sflag:s4], $0x0  }
0x19: {  	s7 =	sld [smem:$0x3F9F]  }
0x1a: {  	s8 =	sadd.s32 $0xFFFFE003, lr  }
0x1b: {  	s9 =	sadd.s32 $0xFFFFFEF7, lr;
	s5 =	simm.s32 $0xFFFFFFFF;
	p2 =	slt.u32 s8, $0xFFFFF086  }
0x1c: {  	p1 =	slt.u32 s9, $0xF7A;
	s5 =	simm.s32 @!p2 $0x0  }
0x1d: {  	s5 =	simm.s32 @p1 $0x1;
	p0 =	seq.s32 s7, s2  }
0x1e: {  	s7 =	smul.u32 @!p0 $0xF7A, s2;
	p2 =	seq.s32 @!p0 s5, $0x0  }
0x1f: {  	s9 =	smul.u32 $0xF7A, s1;
	s8 =	simm.s32 @!p0 $0x1BF5;
	p2 =	por !p2, p0  }
0x20: {  	[sflag:s8] =	ssyncset.s32 @!p0 $0xFFFFF086;
	s6 =	sadd.s32 @!p0 s3, s7;
	s7 =	simm.s32 @!p0 $0x108  }
0x21: {  	s3 =	sadd.s32 s3, s9;
	s6 =	sadd.s32 @!p0 $0x88, s6;
	s7 =	simm.s32 @p2 $0x1082  }
0x22: {  	[simem:s7], [sflag:s8] =	dma.local @!p0 [hbm:s6], $0xF7A  }
0x23: {  	s9 =	sor.u32 $0xD0000000, s2;
	s6 =	simm.s32 $0x108;
	_ =	swait.ge @!p0 [sflag:s8], $0x0  }
0x24: {  	s3 =	sadd.s32 $0x88, s3;
	s6 =	simm.s32 @!p1 $0x1082;
	[sflag:s4] =	ssyncset.s32 $0xFFFFF086  }
0x25: {  	[simem:s6], [sflag:s4] =	dma.local [hbm:s3], $0xF7A  }
0x26: {  	[smem:$0x3F9F] =	sst s1;
	(tag) =	ssettag s2;
	_ =	strace s9  }
0x27: {  	s1 =	sld [smem:$0x3FAF]  }
0x28: {  	s2 =	sld [smem:$0x3FB0]  }
0x29: {  	s4 =	sld [smem:$0x3FB2]  }
0x2a: {  	p0 =	seq.s32 s5, $0x0;
	s5 =	sld [smem:$0x3FB3]  }
0x2b: {  	s6 =	sld [smem:$0x3FB4]  }
0x2c: {  	s7 =	sld [smem:$0x3FB5]  }
0x2d: {  	s3 =	simm.s32 $0x108;
	s8 =	sld [smem:$0x3FB6]  }
0x2e: {  	s3 =	simm.s32 @!p0 $0x1082;
	s9 =	sld [smem:$0x3FB7]  }
0x2f: {  	lr =	sadd.s32 s0, s3;
	s0 =	sld [smem:$0x3FAE]  }
0x30: {  	s3 =	sld [smem:$0x3FB1]  }
0x31: {  	[smem:$0x3FBA] =	sst s10  }
0x32: {  	s10 =	sld [smem:$0x3FB8];
	_ =	sdelay $0x3  }
0x33: {  	p0 =	seq.s32 s10, $0x1;
	s10 =	sld [smem:$0x3FBA];
	_ =	sdelay $0x3  }
0x34: {  	[smem:$0x3FBA] =	sst s10  }
0x35: {  	s10 =	sld [smem:$0x3FB9];
	_ =	sdelay $0x3  }
0x36: {  	p1 =	seq.s32 s10, $0x1;
	s10 =	sld [smem:$0x3FBA];
	_ =	sdelay $0x3  }
0x37: {  	[smem:$0x3FBA] =	sst s10  }
0x38: {  	s10 =	sld [smem:$0x3FBB]  }
0x39: {  	_ = 	snop;
	(pc) =	sbr.ind lr, $3  }
0x3a: {  	_ = 	snop  }
0x3b: {  	_ = 	snop  }
0x3c: {  	p2 =	seq.s32 s10, $0x1;
	s10 =	sld [smem:$0x3FBA]  }
0x3d: {  	_ =	shalt  }
0x3e: {  	_ =	shalt  }
0x3f: {  	_ =	shalt  }
0x40: {  	_ =	shalt  }
0x41: {  	_ =	shalt  }
0x42: {  	_ =	shalt  }
0x43: {  	_ =	shalt  }
0x44: {  	_ =	shalt  }
0x45: {  	_ =	shalt  }
0x46: {  	_ =	shalt  }
0x47: {  	_ =	shalt  }
0x48: {  	_ =	shalt  }
0x49: {  	_ =	shalt  }
0x4a: {  	_ =	shalt  }
0x4b: {  	_ =	shalt  }
0x4c: {  	_ =	shalt  }
0x4d: {  	_ =	shalt  }
0x4e: {  	_ =	shalt  }
0x4f: {  	_ =	shalt  }
0x50: {  	_ =	shalt  }
0x51: {  	_ =	shalt  }
0x52: {  	_ =	shalt  }
0x53: {  	_ =	shalt  }
0x54: {  	_ =	shalt  }
0x55: {  	_ =	shalt  }
0x56: {  	_ =	shalt  }
0x57: {  	_ =	shalt  }
0x58: {  	_ =	shalt  }
0x59: {  	_ =	shalt  }
0x5a: {  	_ =	shalt  }
0x5b: {  	_ =	shalt  }
0x5c: {  	_ =	shalt  }
0x5d: {  	_ =	shalt  }
0x5e: {  	_ =	shalt  }
0x5f: {  	_ =	shalt  }
0x60: {  	_ =	shalt  }
0x61: {  	_ =	shalt  }
0x62: {  	_ =	shalt  }
0x63: {  	_ =	shalt  }
0x64: {  	_ =	shalt  }
0x65: {  	_ =	shalt  }
0x66: {  	_ =	shalt  }
0x67: {  	_ =	shalt  }
0x68: {  	_ =	shalt  }
0x69: {  	_ =	shalt  }
0x6a: {  	_ =	shalt  }
0x6b: {  	_ =	shalt  }
0x6c: {  	_ =	shalt  }
0x6d: {  	_ =	shalt  }
0x6e: {  	_ =	shalt  }
0x6f: {  	_ =	shalt  }
0x70: {  	_ =	shalt  }
0x71: {  	_ =	shalt  }
0x72: {  	_ =	shalt  }
0x73: {  	_ =	shalt  }
0x74: {  	_ =	shalt  }
0x75: {  	_ =	shalt  }
0x76: {  	_ =	shalt  }
0x77: {  	_ =	shalt  }
0x78: {  	_ =	shalt  }
0x79: {  	_ =	shalt  }
0x7a: {  	_ =	shalt  }
0x7b: {  	_ =	shalt  }
0x7c: {  	_ =	shalt  }
0x7d: {  	_ =	shalt  }
0x7e: {  	_ =	shalt  }
0x7f: {  	_ =	shalt  }
0x80: {  	_ =	shalt  }
0x81: {  	_ =	shalt  }
0x82: {  	_ =	shalt  }
0x83: {  	_ =	shalt  }
0x84: {  	_ =	shalt  }
0x85: {  	_ =	shalt  }
0x86: {  	_ =	shalt  }
0x87: {  	_ =	shalt  }
.Lfunc_end0:
.L_simem_size_0:
called_computation_lowered:
.L_overlay_start_0:
0x88: {  	s2 =	sld [smem:$0x3FD9]  }
0x89: {  	s3 =	sld [smem:$0x3FFE];
	_ =	sdelay $0x1  }
0x8a: {  	s1 =	srdreg.scid  }
0x8b: {  	s0 =	sand.u32 $0x1, s1  }
0x8c: {  	s18 =	sshll.u32 s0, $0xA;
	s2 =	sadd.s32 s3, s2  }
0x8d: {  	s2 =	sadd.s32 s2, s18  }
0x8e: {  	[smem:$0x3FC6] =	sst s2  }
0x8f: {  	_ = 	snop  }
0x90: {  	s2 =	sld [smem:$0x3FC9]  }
0x91: {  	s19 =	sld [smem:$0x3FC8]  }
0x92: {  	s4 =	sld [smem:$0x3FD0];
	(tm) =	ssettm $0x1  }
0x93: {  	s5 =	sld [smem:$0x3FFB];
	_ =	sdelay $0x3  }
0x94: {  	_ =	strace s5  }
0x95: {  	s5 =	sld [smem:$0x3FFC];
	_ =	sdelay $0x3  }
0x96: {  	_ =	strace s5  }
0x97: {  	s5 =	sld [smem:$0x3FFD];
	_ =	sdelay $0x3  }
0x98: {  	_ =	strace s5  }
0x99: {  	_ =	strace $0x8FFFFFFF  }
0x9a: {  	s20 =	sld [smem:$0x3FDB];
	_ =	sdelay $0x1  }
0x9b: {  	s6 =	simm.s32 $_scs_section_size  }
0x9c: {  	s7 =	simm.s32 $_size__tile_overlayer_lowered;
	s8 =	simm.s32 $_tile_overlayer_lowered  }
0x9d: {  	s23 =	simm.s32 $0x1BFF;
	s22 =	sshll.u32 s8, $0x1;
	s5 =	sadd.s32 s6, s20  }
0x9e: {  	s9 =	simm.s32 $0x0;
	s21 =	sshll.u32 s7, $0x1;
	s7 =	sadd.s32 s22, s5  }
0x9f: {  	[timem:s9], [sflag:s23] =	dma.local [hbm:s7], s21  }
0xa0: {  	_ =	swait.ge [sflag:s23], s21  }
0xa1: {  	s6 =	ssub.s32 $0x0, s21;
	[sflag:s23] =	ssyncset.done $0x0  }
0xa2: {  	[sflag:s23] =	ssyncadd.s32 s6;
	_ =	sdelay $0x1  }
0xa3: {  	s24 =	simm.s32 $0x1B8B  }
0xa4: {  	_ =	swait.ge [sflag:s24], $0x1  }
0xa5: {  	[sflag:s24] =	ssyncset.done $0x0  }
0xa6: {  	s25 =	simm.s32 $0x1B8E;
	[sflag:s24] =	ssyncadd.s32 $0xFFFFFFFF  }
0xa7: {  	s26 =	simm.s32 $execute0_lowered;
	[smem:$0x3FD2] =	sst s25  }
0xa8: {  	s6 =	sshll.u32 s26, $0x1;
	_ =	strace $0x80000046;
	[dreg:$0x1] =	wrdreg $0xFFFFFFFF  }
0xa9: {  	s28 =	simm.s32 $_size_execute0_lowered;
	s5 =	sadd.s32 s5, s6;
	[dreg:$0x0] =	wrdreg $0x0  }
0xaa: {  	s6 =	sshll.u32 s28, $0x1;
	[dreg:$0x2] =	wrdreg s5  }
0xab: {  	[dreg:$0x3] =	wrdreg s6  }
0xac: {  	[dreg:$0x4] =	wrdreg $0xC0  }
0xad: {  	_ =	task [dreg:s9], $0x5FFFF  }
0xae: {  	[dreg:$0x1] =	wrdreg $0xFFFFFFFF  }
0xaf: {  	[dreg:$0x0] =	wrdreg $0x60  }
0xb0: {  	[dreg:$0x2] =	wrdreg s2  }
0xb1: {  	[dreg:$0x3] =	wrdreg s19  }
0xb2: {  	[dreg:$0x4] =	wrdreg s4  }
0xb3: {  	[dreg:$0x5] =	wrdreg $0x9  }
0xb4: {  	_ =	task.clear_ibuf [dreg:s9], $0x6FFFF;
	_ =	strace $0x90000046  }
0xb5: {  	s29 =	simm.s32 $0x9;
	_ =	strace $0x80000048  }
0xb6: {  	_ =	swait.ge [sflag:s29], $0x1  }
0xb7: {  	[sflag:s29] =	ssyncadd.s32 $0xFFFFFFFF  }
0xb8: {  	_ =	strace $0x90000048  }
0xb9: {  	_ =	sfence  }
0xba: {  	s30 =	sld [smem:$0x0];
	_ =	sdelay $0x2  }
0xbb: {  	s31 =	sshll.u32 s1, $0xD;
	s1 =	sshrl.u32 s1, $0x2  }
0xbc: {  	s3 =	sand.u32 $0x4000, s31;
	s1 =	sadd.s32 s1, s30  }
0xbd: {  	s0 =	sor.u32 s3, s0;
	s1 =	sshll.u32 s1, $0x11  }
0xbe: {  	s0 =	sor.u32 s1, s0  }
0xbf: {  	s0 =	sadd.s32 $0x8F2B, s0  }
0xc0: {  	[sflag:s0] =	ssyncadd.remote.s32 $0x1  }
0xc1: {  	_ =	sfence.sel $0xFFFF  }
0xc2: {  	[dreg:$0x0] =	wrdreg $0xFFFFFFFF;
	(pc) =	sbr.abs _section_cstart, $3  }
0xc3: {  	[dreg:$0x1] =	wrdreg $0xFFFFFFFF  }
0xc4: {  	_ =	task.clear_ibuf [dreg:s9], $0x2FFFF;
	_ =	strace $0x9FFFFFFF  }
0xc5: {  	(tm) =	ssettm $0x7FFFFFFF  }
tec
execute0_lowered:
.L_overlay_start_1:
0x0: {  	(tag) =	ssettag $0x1  }
0x1: {  	v0 =	vimm.s32 $0x1380  }
0x2: {  	vm14 =	vcmask $0x300;
	vm13 =	vcmask $0x704;
	vm12 =	vcmask $0xB08  }
0x3: {  	vm11 =	vcmask $0xF0C;
	vm10 =	vcmask $0x1310;
	vm9 =	vcmask $0x1714  }
0x4: {  	vm8 =	vcmask $0x1B18;
	vm7 =	vcmask $0x1F1C;
	vm6 =	vcmask $0x2320  }
0x5: {  	vm5 =	vcmask $0x2724;
	vm4 =	vcmask $0x2B28;
	vm3 =	vcmask $0x2F2C  }
0x6: {  	vm2 =	vcmask $0x3330;
	vm1 =	vcmask $0x3734;
	vm0 =	vcmask $0x3B38  }
0x7: {  	v1 =	vimm.s32 $0x3380;
	v2 =	vimm.s32 $0x5380;
	v3 =	vimm.s32 $0x7380  }
0x8: {  	v0 =	vsel vm14, $0x0, v0;
	v1 =	vsel vm14, $0x2000, v1;
	v2 =	vsel vm14, $0x4000, v2  }
0x9: {  	v3 =	vsel vm14, $0x6000, v3;
	v0 =	vsel vm13, $0x80, v0;
	v1 =	vsel vm13, $0x2080, v1  }
0xa: {  	v2 =	vsel vm13, $0x4080, v2;
	v3 =	vsel vm13, $0x6080, v3;
	v0 =	vsel vm12, $0x100, v0  }
0xb: {  	v1 =	vsel vm12, $0x2100, v1;
	v2 =	vsel vm12, $0x4100, v2;
	v3 =	vsel vm12, $0x6100, v3  }
0xc: {  	v0 =	vsel vm11, $0x180, v0;
	v1 =	vsel vm11, $0x2180, v1;
	v2 =	vsel vm11, $0x4180, v2  }
0xd: {  	v3 =	vsel vm11, $0x6180, v3;
	v0 =	vsel vm10, $0x200, v0;
	v1 =	vsel vm10, $0x2200, v1  }
0xe: {  	v2 =	vsel vm10, $0x4200, v2;
	v3 =	vsel vm10, $0x6200, v3;
	v0 =	vsel vm9, $0x280, v0  }
0xf: {  	v1 =	vsel vm9, $0x2280, v1;
	v2 =	vsel vm9, $0x4280, v2;
	v3 =	vsel vm9, $0x6280, v3  }
0x10: {  	v0 =	vsel vm8, $0x300, v0;
	v1 =	vsel vm8, $0x2300, v1;
	v2 =	vsel vm8, $0x4300, v2  }
0x11: {  	s0 =	rddreg [dreg:$0x0];
	v3 =	vsel vm8, $0x6300, v3;
	v0 =	vsel vm7, $0x380, v0;
	v1 =	vsel vm7, $0x2380, v1  }
0x12: {  	s1 =	rddreg [dreg:$0x1];
	s3 =	srdreg.scid;
	v2 =	vsel vm7, $0x4380, v2;
	v3 =	vsel vm7, $0x6380, v3;
	v0 =	vsel vm6, $0x1000, v0  }
0x13: {  	s7 =	rddreg [dreg:$0x2];
	s2 =	stileid.u32;
	s4 =	simm.s32 $0x0;
	v1 =	vsel vm6, $0x3000, v1;
	v2 =	vsel vm6, $0x5000, v2;
	v3 =	vsel vm6, $0x7000, v3  }
0x14: {  	s10 =	simm.s32 $0x80;
	s11 =	simm.s32 $0x8080;
	s12 =	simm.s32 $0x1;
	v0 =	vsel vm5, $0x1080, v0;
	v1 =	vsel vm5, $0x3080, v1;
	v2 =	vsel vm5, $0x5080, v2  }
0x15: {  	s13 =	simm.s32 $0x2;
	s14 =	simm.s32 $0x1000;
	s15 =	simm.s32 $0x20000;
	v3 =	vsel vm5, $0x7080, v3;
	v0 =	vsel vm4, $0x1100, v0;
	v1 =	vsel vm4, $0x3100, v1  }
0x16: {  	s16 =	simm.s32 $0x10080;
	s17 =	simm.s32 $0x3;
	s18 =	simm.s32 $0x0;
	v2 =	vsel vm4, $0x5100, v2;
	v3 =	vsel vm4, $0x7100, v3;
	v0 =	vsel vm3, $0x1180, v0  }
0x17: {  	s5 =	sand.u32 $0x1, s3;
	s3 =	rddreg [dreg:$0x3];
	s6 =	sshll.u32 s2, $0xA;
	v1 =	vsel vm3, $0x3180, v1;
	v2 =	vsel vm3, $0x5180, v2;
	v3 =	vsel vm3, $0x7180, v3  }
0x18: {  	[smem:$0x7FF] =	sst s4;
	s8 =	sshll.u32 s5, $0x9;
	s9 =	ssub.s32 $0x2, s5;
	v0 =	vsel vm2, $0x1200, v0;
	v1 =	vsel vm2, $0x3200, v1;
	v2 =	vsel vm2, $0x5200, v2  }
0x19: {  	_ =	strace $0x80000047;
	s5 =	sor.u32 s8, s6;
	s31 =	sshrl.u32 s9, $0x1;
	v3 =	vsel vm2, $0x7200, v3;
	v0 =	vsel vm1, $0x1280, v0;
	v1 =	vsel vm1, $0x3280, v1  }
0x1a: {  	s8 =	sshll.u32 s5, $0x6;
	s9 =	ssub.s32 s9, s31;
	s7 =	sadd.s32 s7, s5;
	v2 =	vsel vm1, $0x5280, v2;
	v3 =	vsel vm1, $0x7280, v3;
	v0 =	vsel vm0, $0x1300, v0  }
0x1b: {  	s6 =	sadd.s32 s0, s8;
	s8 =	smax.u32 s9, $0x1;
	s9 =	simm.s32 $0x4;
	v1 =	vsel vm0, $0x3300, v1;
	v2 =	vsel vm0, $0x5300, v2;
	v3 =	vsel vm0, $0x7300, v3  }
.LBB2_1:
0x1c: {  	[tilespmem:s4], [sflag:$0x4] =	stream.linear.gather [hbm4b:s1+s4], $0x40, $0x38;
	[tilespmem:$0x18080] =	vst v63  }
0x1d: {  	_ =	swait.ge [sflag:s9], $0x40  }
0x1e: {  	s19 =	simm.s32 $0x10280;
	[sflag:s9] =	ssyncset.done $0x0  }
0x1f: {  	s20 =	simm.s32 $0x102C0;
	s21 =	simm.s32 $0x0;
	[sflag:s9] =	ssyncadd.s32 $0xFFFFFFC0  }
0x20: {  	[tilespmem:s10], [sflag:$0x1] =	stream.linear.gather [hbm4b:s6+s4], $0x8000, $0x38;
	[tilespmem:$0x18080] =	vst v63  }
.LBB2_2:
0x21: {  	s22 =	sshll.u32 s21, $0x7  }
0x22: {  	s23 =	sadd.s32 s22, s5  }
0x23: {  	s23 =	sshll.u32 s23, $0x6  }
0x24: {  	s23 =	sadd.s32 s0, s23  }
0x25: {  	s23 =	sadd.s32 $0x1000, s23  }
0x26: {  	[tilespmem:s11], [sflag:$0x2] =	stream.linear.gather [hbm4b:s23+s4], $0x8000, $0x38;
	[tilespmem:$0x18080] =	vst v63  }
0x27: {  	_ =	swait.ge [sflag:s12], $0x8000  }
0x28: {  	[sflag:s12] =	ssyncset.done $0x0  }
0x29: {  	s31 =	simm.s32 $0x4;
	[sflag:s12] =	ssyncadd.s32 $0xFFFF8000  }
0x2a: {  	v4 =	vld.msk [tilespmem:s31+$0xFFFFFFFC ss:$0x0], $0xffff  }
0x2b: {  	v5 =	vld.msk [tilespmem:s31+$0x3 ss:$0x0], $0xffff;
	_ =	sdelay $0x3  }
0x2c: {  	v6 =	vshll.u32 v4, $0x3  }
0x2d: {  	v7 =	vshll.u32 v5, $0x3;
	v4 =	vand.u32 $0x7F, v4;
	v6 =	vand.u32 $0xFFFFFC00, v6  }
0x2e: {  	v5 =	vand.u32 $0x7F, v5;
	v7 =	vand.u32 $0xFFFFFC00, v7;
	v8 =	vor.u32 v4, v6  }
0x2f: {  	v9 =	vld.msk [tilespmem:s31+$0xFFFFFFFD ss:$0x0], $0xffff;
	v11 =	vor.u32 v5, v7;
	v5 =	vadd.s32 v0, v8  }
0x30: {  	v12 =	vld.msk [tilespmem:s31+$0x0 ss:$0x0], $0xffff  }
0x31: {  	v4 =	vld.msk [tilespmem:s31+$0x1 ss:$0x0], $0xffff;
	v7 =	vadd.s32 v0, v11  }
0x32: {  	v10 =	vld.msk [tilespmem:s31+$0xFFFFFFFF ss:$0x0], $0xffff  }
0x33: {  	v6 =	vld.msk [tilespmem:s31+$0x2 ss:$0x0], $0xffff  }
0x34: {  	v13 =	vld.idx.msk [tilespmem:v5+s10+$0x0], $0xffff  }
0x35: {  	v15 =	vld.msk [tilespmem:s31+$0xFFFFFFFE ss:$0x0], $0xffff;
	v20 =	vshll.u32 v12, $0x3  }
0x36: {  	s23 =	simm.s32 $0xC;
	v12 =	vand.u32 $0x7F, v12;
	v14 =	vadd.s32 v1, v8;
	v5 =	vshll.u32 v4, $0x3;
	v7 =	vld.idx.msk [tilespmem:v7+s10+$0x0], $0xffff  }
0x37: {  	v21 =	vld.msk [tilespmem:s23+$0x3 ss:$0x0], $0xffff;
	v16 =	vadd.s32 v1, v11;
	v4 =	vand.u32 $0x7F, v4;
	v5 =	vand.u32 $0xFFFFFC00, v5  }
0x38: {  	v25 =	vld.msk [tilespmem:s23+$0xFFFFFFFC ss:$0x0], $0xffff;
	v18 =	vadd.s32 v2, v8;
	v19 =	vshll.u32 v6, $0x3;
	v17 =	vor.u32 v4, v5  }
0x39: {  	v22 =	vand.u32 $0x7F, v6;
	v6 =	vld.msk [tilespmem:s23+$0xFFFFFFFD ss:$0x0], $0xffff;
	v4 =	vadd.s32 v0, v17;
	[tilespmem:s19+$0xFFFFFE00] =	vst v13;
	v13 =	vand.u32 $0xFFFFFC00, v20  }
0x3a: {  	v19 =	vand.u32 $0xFFFFFC00, v19;
	v5 =	vld.msk [tilespmem:s23+$0x2 ss:$0x0], $0xffff;
	v20 =	vand.u32 $0x7F, v10;
	v12 =	vor.u32 v12, v13  }
0x3b: {  	[tilespmem:s19+$0x180] =	vst v7;
	v7 =	vshll.u32 v10, $0x3;
	v10 =	vshll.u32 v9, $0x3;
	v14 =	vld.idx.msk [tilespmem:v14+s10+$0x0], $0xffff;
	v13 =	vadd.s32 v0, v12  }
0x3c: {  	v9 =	vand.u32 $0x7F, v9;
	v16 =	vld.idx.msk [tilespmem:v16+s10+$0x0], $0xffff;
	v23 =	vand.u32 $0xFFFFFC00, v7;
	v7 =	vand.u32 $0xFFFFFC00, v10  }
0x3d: {  	v24 =	vadd.s32 v2, v11;
	v22 =	vor.u32 v22, v19;
	v19 =	vor.u32 v9, v7;
	v7 =	vld.msk [tilespmem:s23+$0xFFFFFFFF ss:$0x0], $0xffff  }
0x3e: {  	v23 =	vor.u32 v20, v23;
	v10 =	vld.idx.msk [tilespmem:v4+s10+$0x0], $0xffff;
	v20 =	vadd.s32 v0, v19;
	v4 =	vshll.u32 v21, $0x3  }
0x3f: {  	v26 =	vadd.s32 v1, v17;
	v9 =	vld.msk [tilespmem:s23+$0x1 ss:$0x0], $0xffff;
	v21 =	vand.u32 $0x7F, v21;
	v4 =	vand.u32 $0xFFFFFC00, v4  }
0x40: {  	v27 =	vshll.u32 v15, $0x3;
	v4 =	vor.u32 v21, v4;
	[tilespmem:s19+$0xFFFFFE10] =	vst v14;
	v14 =	vadd.s32 v0, v22;
	v13 =	vld.idx.msk [tilespmem:v13+s10+$0x0], $0xffff  }
0x41: {  	v15 =	vand.u32 $0x7F, v15;
	v21 =	vand.u32 $0xFFFFFC00, v27;
	v55 =	vadd.s32 v0, v4;
	[tilespmem:s19+$0x190] =	vst v16;
	v18 =	vld.idx.msk [tilespmem:v18+s10+$0x0], $0xffff  }
0x42: {  	v15 =	vor.u32 v15, v21;
	v16 =	vadd.s32 v0, v23;
	v21 =	vld.idx.msk [tilespmem:v24+s10+$0x0], $0xffff  }
0x43: {  	v56 =	vadd.s32 v0, v15;
	[tilespmem:s19+$0x80] =	vst v10;
	v20 =	vld.idx.msk [tilespmem:v20+s10+$0x0], $0xffff  }
0x44: {  	v8 =	vadd.s32 v3, v8;
	v26 =	vld.idx.msk [tilespmem:v26+s10+$0x0], $0xffff  }
0x45: {  	v28 =	vadd.s32 v1, v12;
	v14 =	vld.idx.msk [tilespmem:v14+s10+$0x0], $0xffff  }
0x46: {  	v29 =	vadd.s32 v1, v19;
	v10 =	vld.idx.msk [tilespmem:v55+s10+$0x0], $0xffff;
	[tilespmem:s19+$0x0] =	vst v13  }
0x47: {  	v11 =	vadd.s32 v3, v11;
	v13 =	vld.idx.msk [tilespmem:v16+s10+$0x0], $0xffff;
	[tilespmem:s19+$0xFFFFFE20] =	vst v18  }
0x48: {  	v57 =	vadd.s32 v2, v17;
	v16 =	vld.idx.msk [tilespmem:v56+s10+$0x0], $0xffff;
	[tilespmem:s19+$0x1A0] =	vst v21  }
0x49: {  	v21 =	vadd.s32 v1, v15;
	v8 =	vld.idx.msk [tilespmem:v8+s10+$0x0], $0xffff;
	[tilespmem:s19+$0xFFFFFE80] =	vst v20  }
0x4a: {  	v18 =	vadd.s32 v1, v22;
	v20 =	vld.idx.msk [tilespmem:v28+s10+$0x0], $0xffff;
	[tilespmem:s19+$0x90] =	vst v26  }
0x4b: {  	v58 =	vadd.s32 v1, v23;
	v59 =	vld.idx.msk [tilespmem:v29+s10+$0x0], $0xffff;
	[tilespmem:s19+$0x100] =	vst v14  }
0x4c: {  	v60 =	vadd.s32 v2, v19;
	v11 =	vld.idx.msk [tilespmem:v11+s10+$0x0], $0xffff;
	[tilespmem:s19+$0xFFFFFF80] =	vst v13  }
0x4d: {  	v27 =	vld.idx.msk [tilespmem:v57+s10+$0x0], $0xffff;
	v14 =	vadd.s32 v2, v12;
	[tilespmem:s19+$0xFFFFFF00] =	vst v16  }
0x4e: {  	v17 =	vadd.s32 v3, v17;
	[tilespmem:s19+$0xFFFFFE30] =	vst v8;
	v8 =	vld.idx.msk [tilespmem:v21+s10+$0x0], $0xffff  }
0x4f: {  	v13 =	vld.idx.msk [tilespmem:v18+s10+$0x0], $0xffff;
	[tilespmem:s19+$0x10] =	vst v20  }
0x50: {  	v18 =	vadd.s32 v2, v22;
	v16 =	vld.idx.msk [tilespmem:v58+s10+$0x0], $0xffff;
	[tilespmem:s19+$0xFFFFFE90] =	vst v59  }
0x51: {  	v21 =	vadd.s32 v2, v23;
	[tilespmem:s19+$0x1B0] =	vst v11;
	v26 =	vld.idx.msk [tilespmem:v60+s10+$0x0], $0xffff  }
0x52: {  	v61 =	vadd.s32 v2, v15;
	[tilespmem:s19+$0xA0] =	vst v27;
	v14 =	vld.idx.msk [tilespmem:v14+s10+$0x0], $0xffff  }
0x53: {  	v27 =	vld.idx.msk [tilespmem:v17+s10+$0x0], $0xffff;
	[tilespmem:s19+$0xFFFFFF10] =	vst v8;
	v8 =	vshll.u32 v25, $0x3  }
0x54: {  	v12 =	vadd.s32 v3, v12;
	v11 =	vand.u32 $0x7F, v25;
	v17 =	vld.msk [tilespmem:s23+$0x0 ss:$0x0], $0xffff;
	[tilespmem:s19+$0x110] =	vst v13;
	v8 =	vand.u32 $0xFFFFFC00, v8  }
0x55: {  	v63 =	vadd.s32 v3, v19;
	[tilespmem:s19+$0xFFFFFF90] =	vst v16;
	v62 =	vld.idx.msk [tilespmem:v18+s10+$0x0], $0xffff;
	v8 =	vor.u32 v11, v8  }
0x56: {  	v20 =	vld.idx.msk [tilespmem:v21+s10+$0x0], $0xffff;
	v21 =	vadd.s32 v0, v8  }
0x57: {  	v16 =	vadd.s32 v3, v23;
	v18 =	vld.idx.msk [tilespmem:v61+s10+$0x0], $0xffff;
	[tilespmem:s19+$0xFFFFFEA0] =	vst v26  }
0x58: {  	v19 =	vadd.s32 v3, v15;
	v13 =	vld.msk [tilespmem:s23+$0xFFFFFFFE ss:$0x0], $0xffff;
	[tilespmem:s19+$0x20] =	vst v14  }
0x59: {  	[tilespmem:s19+$0xB0] =	vst v27;
	v14 =	vld.idx.msk [tilespmem:v12+s10+$0x0], $0xffff;
	v12 =	vadd.s32 v3, v22  }
0x5a: {  	s26 =	simm.s32 $0x8;
	s24 =	smov.u32 s19;
	s25 =	smov.u32 s19;
	v11 =	vadd.s32 v2, v8;
	v15 =	vld.idx.msk [tilespmem:v63+s10+$0x0], $0xffff;
	[tilespmem:s19+$0x120] =	vst v62  }
.LBB2_3:
0x5b: {  	s26 =	sadd.s32 $0x8, s26;
	v21 =	vld.idx.msk [tilespmem:v21+s10+$0x0], $0xffff;
	v22 =	vadd.s32 v1, v8;
	v23 =	vshll.u32 v5, $0x3;
	v24 =	vadd.s32 v1, v4;
	[tilespmem:s24+$0xFFFFFFA0] =	vst v20;
	s25 =	sadd.s32 $0x1000, s25  }
0x5c: {  	v20 =	vshll.u32 v9, $0x3;
	v25 =	vand.u32 $0x7F, v5;
	p0 =	slt.u32 s26, $0x38;
	v23 =	vand.u32 $0xFFFFFC00, v23;
	[tilespmem:s24+$0xFFFFFF20] =	vst v18;
	v16 =	vld.idx.msk [tilespmem:v16+s10+$0x0], $0xffff  }
0x5d: {  	v5 =	vand.u32 $0x7F, v9;
	s23 =	sadd.s32 $0x8, s23;
	v18 =	vand.u32 $0x7F, v17;
	v9 =	vand.u32 $0xFFFFFC00, v20;
	v19 =	vld.idx.msk [tilespmem:v19+s10+$0x0], $0xffff  }
0x5e: {  	v20 =	vand.u32 $0x7F, v7;
	v7 =	vshll.u32 v7, $0x3;
	v26 =	vor.u32 v5, v9;
	[tilespmem:s25+$0x180] =	vst v10;
	v9 =	vld.idx.msk [tilespmem:v12+s10+$0x0], $0xffff  }
0x5f: {  	v7 =	vand.u32 $0xFFFFFC00, v7;
	v10 =	vshll.u32 v17, $0x3;
	v17 =	vadd.s32 v0, v26;
	v5 =	vld.msk [tilespmem:s23+$0x2 ss:$0x0], $0xffff;
	[tilespmem:s24+$0x30] =	vst v14  }
0x60: {  	v27 =	vshll.u32 v6, $0x3;
	v28 =	vshll.u32 v13, $0x3;
	v12 =	vor.u32 v25, v23;
	v14 =	vld.msk [tilespmem:s23+$0x3 ss:$0x0], $0xffff;
	[tilespmem:s24+$0xFFFFFEB0] =	vst v15  }
0x61: {  	v20 =	vor.u32 v20, v7;
	v7 =	vand.u32 $0xFFFFFC00, v10;
	v15 =	vld.msk [tilespmem:s23+$0xFFFFFFFD ss:$0x0], $0xffff;
	[tilespmem:s25+$0xFFFFFE00] =	vst v21;
	v21 =	vand.u32 $0xFFFFFC00, v27  }
0x62: {  	v6 =	vand.u32 $0x7F, v6;
	v18 =	vor.u32 v18, v7;
	v10 =	vld.idx.msk [tilespmem:v22+s10+$0x0], $0xffff;
	v22 =	vand.u32 $0xFFFFFC00, v28;
	[tilespmem:s24+$0xFFFFFFB0] =	vst v16  }
0x63: {  	v21 =	vor.u32 v6, v21;
	v6 =	vand.u32 $0x7F, v13;
	v13 =	vadd.s32 v0, v18;
	v16 =	vld.idx.msk [tilespmem:v24+s10+$0x0], $0xffff;
	[tilespmem:s24+$0xFFFFFF30] =	vst v19  }
0x64: {  	v19 =	vadd.s32 v0, v21;
	v22 =	vor.u32 v6, v22;
	v17 =	vld.idx.msk [tilespmem:v17+s10+$0x0], $0xffff;
	[tilespmem:s24+$0x130] =	vst v9;
	s24 =	smov.u32 s25  }
0x65: {  	v24 =	vadd.s32 v2, v4;
	v23 =	vadd.s32 v0, v22;
	v7 =	vld.msk [tilespmem:s23+$0xFFFFFFFF ss:$0x0], $0xffff  }
0x66: {  	v27 =	vadd.s32 v1, v26;
	v29 =	vshll.u32 v14, $0x3;
	v25 =	vld.msk [tilespmem:s23+$0xFFFFFFFC ss:$0x0], $0xffff  }
0x67: {  	v14 =	vand.u32 $0x7F, v14;
	v28 =	vand.u32 $0xFFFFFC00, v29;
	v6 =	vmov v15;
	v9 =	vld.msk [tilespmem:s23+$0x1 ss:$0x0], $0xffff  }
0x68: {  	v14 =	vor.u32 v14, v28;
	[tilespmem:s25+$0xFFFFFE10] =	vst v10;
	v13 =	vld.idx.msk [tilespmem:v13+s10+$0x0], $0xffff;
	v10 =	vadd.s32 v0, v12  }
0x69: {  	v28 =	vadd.s32 v1, v20;
	v15 =	vadd.s32 v0, v14;
	v11 =	vld.idx.msk [tilespmem:v11+s10+$0x0], $0xffff;
	[tilespmem:s25+$0x190] =	vst v16  }
0x6a: {  	v16 =	vadd.s32 v0, v20;
	[tilespmem:s25+$0x80] =	vst v17;
	v17 =	vld.idx.msk [tilespmem:v24+s10+$0x0], $0xffff  }
0x6b: {  	v29 =	vadd.s32 v1, v21;
	v24 =	vadd.s32 v3, v8;
	v19 =	vld.idx.msk [tilespmem:v19+s10+$0x0], $0xffff  }
0x6c: {  	v31 =	vadd.s32 v1, v18;
	v30 =	vadd.s32 v1, v22;
	v8 =	vshll.u32 v25, $0x3;
	v27 =	vld.idx.msk [tilespmem:v27+s10+$0x0], $0xffff  }
0x6d: {  	v32 =	vadd.s32 v2, v26;
	v25 =	vand.u32 $0x7F, v25;
	v8 =	vand.u32 $0xFFFFFC00, v8;
	v33 =	vld.idx.msk [tilespmem:v10+s10+$0x0], $0xffff  }
0x6e: {  	v8 =	vor.u32 v25, v8;
	v10 =	vld.idx.msk [tilespmem:v15+s10+$0x0], $0xffff;
	[tilespmem:s25+$0x0] =	vst v13  }
0x6f: {  	[tilespmem:s25+$0xFFFFFE20] =	vst v11;
	v11 =	vld.idx.msk [tilespmem:v16+s10+$0x0], $0xffff  }
0x70: {  	v15 =	vadd.s32 v2, v20;
	v16 =	vadd.s32 v1, v12;
	v13 =	vld.idx.msk [tilespmem:v23+s10+$0x0], $0xffff;
	[tilespmem:s25+$0x1A0] =	vst v17  }
0x71: {  	v17 =	vld.idx.msk [tilespmem:v24+s10+$0x0], $0xffff;
	[tilespmem:s25+$0xFFFFFE80] =	vst v19  }
0x72: {  	v19 =	vadd.s32 v2, v21;
	v23 =	vld.idx.msk [tilespmem:v31+s10+$0x0], $0xffff;
	[tilespmem:s25+$0x90] =	vst v27  }
0x73: {  	v25 =	vadd.s32 v2, v22;
	v27 =	vadd.s32 v3, v4;
	v4 =	vmov v14;
	v24 =	vld.idx.msk [tilespmem:v29+s10+$0x0], $0xffff;
	[tilespmem:s25+$0x100] =	vst v33  }
0x74: {  	v14 =	vadd.s32 v2, v18;
	v29 =	vld.idx.msk [tilespmem:v32+s10+$0x0], $0xffff  }
0x75: {  	[tilespmem:s25+$0xFFFFFF80] =	vst v11;
	v11 =	vld.idx.msk [tilespmem:v16+s10+$0x0], $0xffff  }
0x76: {  	v26 =	vadd.s32 v3, v26;
	[tilespmem:s25+$0xFFFFFF00] =	vst v13;
	v13 =	vld.idx.msk [tilespmem:v28+s10+$0x0], $0xffff  }
0x77: {  	v28 =	vadd.s32 v2, v12;
	[tilespmem:s25+$0xFFFFFE30] =	vst v17;
	v17 =	vld.idx.msk [tilespmem:v30+s10+$0x0], $0xffff  }
0x78: {  	v16 =	vadd.s32 v3, v20;
	[tilespmem:s25+$0x10] =	vst v23;
	v23 =	vld.idx.msk [tilespmem:v27+s10+$0x0], $0xffff  }
0x79: {  	[tilespmem:s25+$0xFFFFFE90] =	vst v24;
	v14 =	vld.idx.msk [tilespmem:v14+s10+$0x0], $0xffff  }
0x7a: {  	v19 =	vld.idx.msk [tilespmem:v19+s10+$0x0], $0xffff;
	[tilespmem:s25+$0xA0] =	vst v29  }
0x7b: {  	v24 =	vadd.s32 v3, v18;
	v26 =	vld.idx.msk [tilespmem:v26+s10+$0x0], $0xffff;
	[tilespmem:s25+$0x110] =	vst v11  }
0x7c: {  	[tilespmem:s25+$0xFFFFFF90] =	vst v13;
	v27 =	vld.idx.msk [tilespmem:v28+s10+$0x0], $0xffff  }
0x7d: {  	v28 =	vadd.s32 v3, v21;
	[tilespmem:s25+$0xFFFFFF10] =	vst v17;
	v20 =	vld.idx.msk [tilespmem:v15+s10+$0x0], $0xffff  }
.Ltmp0:
0x7e: {  	v21 =	vadd.s32 v0, v8;
	v18 =	vld.idx.msk [tilespmem:v25+s10+$0x0], $0xffff;
	[tilespmem:s25+$0x1B0] =	vst v23;
	(pc) =	sbr.rel @p0 .LBB2_3-.Ltmp0, $4  }
0x7f: {  	v17 =	vld.msk [tilespmem:s23+$0x0 ss:$0x0], $0xffff;
	[tilespmem:s25+$0x20] =	vst v14  }
0x80: {  	v12 =	vadd.s32 v3, v12;
	[tilespmem:s25+$0xFFFFFEA0] =	vst v19;
	v19 =	vadd.s32 v3, v22;
	v14 =	vld.idx.msk [tilespmem:v24+s10+$0x0], $0xffff  }
0x81: {  	v13 =	vld.msk [tilespmem:s23+$0xFFFFFFFE ss:$0x0], $0xffff;
	[tilespmem:s25+$0xB0] =	vst v26  }
0x82: {  	v11 =	vadd.s32 v2, v8;
	v15 =	vld.idx.msk [tilespmem:v28+s10+$0x0], $0xffff;
	[tilespmem:s25+$0x120] =	vst v27  }
0x83: {  	_ =	sdelay $0x3  }
0x84: {  	v21 =	vld.idx.msk [tilespmem:v21+s10+$0x0], $0xffff;
	v22 =	vadd.s32 v1, v8;
	v23 =	vshll.u32 v9, $0x3  }
0x85: {  	v24 =	vadd.s32 v1, v4;
	v9 =	vand.u32 $0x7F, v9;
	[tilespmem:s24+$0xFFFFFFA0] =	vst v20;
	s23 =	sadd.s32 $0x1000, s25;
	v23 =	vand.u32 $0xFFFFFC00, v23  }
0x86: {  	v20 =	vshll.u32 v17, $0x3;
	v17 =	vand.u32 $0x7F, v17;
	[tilespmem:s23+$0x180] =	vst v10;
	v10 =	vshll.u32 v6, $0x3  }
0x87: {  	[tilespmem:s24+$0xFFFFFF20] =	vst v18;
	v6 =	vand.u32 $0x7F, v6;
	v9 =	vor.u32 v9, v23;
	v10 =	vand.u32 $0xFFFFFC00, v10  }
0x88: {  	v19 =	vld.idx.msk [tilespmem:v19+s10+$0x0], $0xffff;
	v20 =	vand.u32 $0xFFFFFC00, v20;
	v18 =	vadd.s32 v0, v9;
	v6 =	vor.u32 v6, v10;
	[tilespmem:s24+$0xFFFFFEB0] =	vst v15  }
0x89: {  	v16 =	vld.idx.msk [tilespmem:v16+s10+$0x0], $0xffff;
	v17 =	vor.u32 v17, v20;
	v15 =	vadd.s32 v0, v6;
	[tilespmem:s23+$0xFFFFFE00] =	vst v21  }
0x8a: {  	v23 =	vshll.u32 v5, $0x3;
	[tilespmem:s24+$0x30] =	vst v14;
	v14 =	vshll.u32 v13, $0x3;
	v21 =	vld.idx.msk [tilespmem:v22+s10+$0x0], $0xffff;
	v22 =	vadd.s32 v0, v17  }
0x8b: {  	v5 =	vand.u32 $0x7F, v5;
	v13 =	vand.u32 $0x7F, v13;
	v14 =	vand.u32 $0xFFFFFC00, v14;
	v24 =	vld.idx.msk [tilespmem:v24+s10+$0x0], $0xffff  }
0x8c: {  	v12 =	vld.idx.msk [tilespmem:v12+s10+$0x0], $0xffff;
	v20 =	vand.u32 $0xFFFFFC00, v23;
	v10 =	vadd.s32 v2, v4;
	v13 =	vor.u32 v13, v14  }
0x8d: {  	v23 =	vand.u32 $0x7F, v7;
	v7 =	vshll.u32 v7, $0x3;
	[tilespmem:s24+$0xFFFFFF30] =	vst v19;
	v19 =	vadd.s32 v0, v13;
	v18 =	vld.idx.msk [tilespmem:v18+s10+$0x0], $0xffff  }
0x8e: {  	v7 =	vand.u32 $0xFFFFFC00, v7;
	v5 =	vor.u32 v5, v20;
	[tilespmem:s24+$0xFFFFFFB0] =	vst v16;
	v16 =	vadd.s32 v1, v9;
	v15 =	vld.idx.msk [tilespmem:v15+s10+$0x0], $0xffff  }
0x8f: {  	v7 =	vor.u32 v23, v7;
	[tilespmem:s23+$0xFFFFFE10] =	vst v21;
	v20 =	vld.idx.msk [tilespmem:v22+s10+$0x0], $0xffff;
	v21 =	vadd.s32 v0, v5  }
0x90: {  	v14 =	vadd.s32 v0, v7;
	[tilespmem:s23+$0x190] =	vst v24;
	v11 =	vld.idx.msk [tilespmem:v11+s10+$0x0], $0xffff  }
0x91: {  	[tilespmem:s24+$0x130] =	vst v12;
	v12 =	vadd.s32 v1, v17;
	v10 =	vld.idx.msk [tilespmem:v10+s10+$0x0], $0xffff  }
0x92: {  	v8 =	vadd.s32 v3, v8;
	v19 =	vld.idx.msk [tilespmem:v19+s10+$0x0], $0xffff;
	[tilespmem:s23+$0x80] =	vst v18  }
0x93: {  	v4 =	vadd.s32 v3, v4;
	v16 =	vld.idx.msk [tilespmem:v16+s10+$0x0], $0xffff;
	[tilespmem:s23+$0xFFFFFE80] =	vst v15  }
0x94: {  	v18 =	vadd.s32 v1, v6;
	v21 =	vld.idx.msk [tilespmem:v21+s10+$0x0], $0xffff;
	[tilespmem:s23+$0x0] =	vst v20  }
0x95: {  	v15 =	vadd.s32 v1, v5;
	[tilespmem:s23+$0xFFFFFE20] =	vst v11;
	v11 =	vld.idx.msk [tilespmem:v14+s10+$0x0], $0xffff  }
0x96: {  	[tilespmem:s23+$0x1A0] =	vst v10;
	v14 =	vadd.s32 v1, v7;
	v12 =	vld.idx.msk [tilespmem:v12+s10+$0x0], $0xffff  }
0x97: {  	v10 =	vadd.s32 v1, v13;
	[tilespmem:s23+$0xFFFFFF00] =	vst v19;
	v8 =	vld.idx.msk [tilespmem:v8+s10+$0x0], $0xffff  }
0x98: {  	v20 =	vadd.s32 v2, v9;
	v4 =	vld.idx.msk [tilespmem:v4+s10+$0x0], $0xffff;
	[tilespmem:s23+$0x90] =	vst v16  }
0x99: {  	v16 =	vld.idx.msk [tilespmem:v18+s10+$0x0], $0xffff;
	v18 =	vadd.s32 v2, v17;
	[tilespmem:s23+$0x100] =	vst v21  }
0x9a: {  	[tilespmem:s23+$0xFFFFFF80] =	vst v11;
	v11 =	vadd.s32 v2, v6;
	v15 =	vld.idx.msk [tilespmem:v15+s10+$0x0], $0xffff  }
0x9b: {  	[tilespmem:s23+$0x10] =	vst v12;
	v12 =	vadd.s32 v2, v5;
	v14 =	vld.idx.msk [tilespmem:v14+s10+$0x0], $0xffff  }
0x9c: {  	v19 =	vadd.s32 v2, v7;
	[tilespmem:s23+$0xFFFFFE30] =	vst v8;
	v8 =	vld.idx.msk [tilespmem:v10+s10+$0x0], $0xffff  }
0x9d: {  	v20 =	vld.idx.msk [tilespmem:v20+s10+$0x0], $0xffff;
	[tilespmem:s23+$0x1B0] =	vst v4;
	v10 =	vadd.s32 v2, v13  }
0x9e: {  	v9 =	vadd.s32 v3, v9;
	[tilespmem:s23+$0xFFFFFE90] =	vst v16;
	v16 =	vld.idx.msk [tilespmem:v18+s10+$0x0], $0xffff  }
0x9f: {  	v17 =	vadd.s32 v3, v17;
	v11 =	vld.idx.msk [tilespmem:v11+s10+$0x0], $0xffff;
	[tilespmem:s23+$0x110] =	vst v15  }
0xa0: {  	v6 =	vadd.s32 v3, v6;
	[tilespmem:s23+$0xFFFFFF90] =	vst v14;
	v12 =	vld.idx.msk [tilespmem:v12+s10+$0x0], $0xffff  }
0xa1: {  	v5 =	vadd.s32 v3, v5;
	[tilespmem:s23+$0xFFFFFF10] =	vst v8;
	v8 =	vld.idx.msk [tilespmem:v19+s10+$0x0], $0xffff  }
0xa2: {  	v7 =	vadd.s32 v3, v7;
	[tilespmem:s23+$0xA0] =	vst v20;
	v10 =	vld.idx.msk [tilespmem:v10+s10+$0x0], $0xffff  }
0xa3: {  	v4 =	vadd.s32 v3, v13;
	v9 =	vld.idx.msk [tilespmem:v9+s10+$0x0], $0xffff;
	[tilespmem:s23+$0x20] =	vst v16  }
0xa4: {  	[tilespmem:s23+$0xFFFFFEA0] =	vst v11;
	v11 =	vld.idx.msk [tilespmem:v17+s10+$0x0], $0xffff  }
0xa5: {  	v6 =	vld.idx.msk [tilespmem:v6+s10+$0x0], $0xffff;
	[tilespmem:s23+$0x120] =	vst v12  }
0xa6: {  	[tilespmem:s23+$0xFFFFFFA0] =	vst v8;
	v5 =	vld.idx.msk [tilespmem:v5+s10+$0x0], $0xffff  }
0xa7: {  	[tilespmem:s23+$0xFFFFFF20] =	vst v10;
	v7 =	vld.idx.msk [tilespmem:v7+s10+$0x0], $0xffff  }
0xa8: {  	[tilespmem:s23+$0xB0] =	vst v9;
	v4 =	vld.idx.msk [tilespmem:v4+s10+$0x0], $0xffff  }
0xa9: {  	s22 =	sadd.s32 $0x80, s22;
	[tilespmem:s23+$0x30] =	vst v11  }
0xaa: {  	s22 =	sand.u32 $0x180, s22;
	[tilespmem:s23+$0xFFFFFEB0] =	vst v6  }
0xab: {  	s22 =	sor.u32 s5, s22;
	[tilespmem:s23+$0x130] =	vst v5  }
0xac: {  	s22 =	sshll.u32 s22, $0x6;
	[tilespmem:s23+$0xFFFFFFB0] =	vst v7  }
0xad: {  	s22 =	sadd.s32 s0, s22;
	[tilespmem:s23+$0xFFFFFF30] =	vst v4  }
0xae: {  	[tilespmem:s10], [sflag:$0x1] =	stream.linear.gather [hbm4b:s22+s4], $0x8000, $0x38;
	[tilespmem:$0x18080] =	vst v63  }
0xaf: {  	_ =	swait.ge [sflag:s13], $0x8000  }
0xb0: {  	[sflag:s13] =	ssyncset.done $0x0  }
0xb1: {  	s31 =	simm.s32 $0x4;
	[sflag:s13] =	ssyncadd.s32 $0xFFFF8000  }
0xb2: {  	v4 =	vld.msk [tilespmem:s31+$0xFFFFFFFC ss:$0x0], $0xffff  }
0xb3: {  	v5 =	vld.msk [tilespmem:s31+$0x3 ss:$0x0], $0xffff;
	_ =	sdelay $0x3  }
0xb4: {  	v6 =	vshll.u32 v4, $0x3  }
0xb5: {  	v7 =	vshll.u32 v5, $0x3;
	v4 =	vand.u32 $0x7F, v4;
	v6 =	vand.u32 $0xFFFFFC00, v6  }
0xb6: {  	v5 =	vand.u32 $0x7F, v5;
	v7 =	vand.u32 $0xFFFFFC00, v7;
	v8 =	vor.u32 v4, v6  }
0xb7: {  	v9 =	vld.msk [tilespmem:s31+$0xFFFFFFFD ss:$0x0], $0xffff;
	v11 =	vor.u32 v5, v7;
	v5 =	vadd.s32 v0, v8  }
0xb8: {  	v12 =	vld.msk [tilespmem:s31+$0x0 ss:$0x0], $0xffff  }
0xb9: {  	v4 =	vld.msk [tilespmem:s31+$0x1 ss:$0x0], $0xffff;
	v7 =	vadd.s32 v0, v11  }
0xba: {  	v10 =	vld.msk [tilespmem:s31+$0xFFFFFFFF ss:$0x0], $0xffff  }
0xbb: {  	v6 =	vld.msk [tilespmem:s31+$0x2 ss:$0x0], $0xffff  }
0xbc: {  	v13 =	vld.idx.msk [tilespmem:v5+s11+$0x0], $0xffff  }
0xbd: {  	v15 =	vld.msk [tilespmem:s31+$0xFFFFFFFE ss:$0x0], $0xffff;
	v20 =	vshll.u32 v12, $0x3  }
0xbe: {  	s22 =	simm.s32 $0xC;
	v12 =	vand.u32 $0x7F, v12;
	v14 =	vadd.s32 v1, v8;
	v5 =	vshll.u32 v4, $0x3;
	v7 =	vld.idx.msk [tilespmem:v7+s11+$0x0], $0xffff  }
0xbf: {  	v21 =	vld.msk [tilespmem:s22+$0x3 ss:$0x0], $0xffff;
	v16 =	vadd.s32 v1, v11;
	v4 =	vand.u32 $0x7F, v4;
	v5 =	vand.u32 $0xFFFFFC00, v5  }
0xc0: {  	v25 =	vld.msk [tilespmem:s22+$0xFFFFFFFC ss:$0x0], $0xffff;
	v18 =	vadd.s32 v2, v8;
	v19 =	vshll.u32 v6, $0x3;
	v17 =	vor.u32 v4, v5  }
0xc1: {  	v22 =	vand.u32 $0x7F, v6;
	v6 =	vld.msk [tilespmem:s22+$0xFFFFFFFD ss:$0x0], $0xffff;
	v4 =	vadd.s32 v0, v17;
	[tilespmem:s20+$0xFFFFFE00] =	vst v13;
	v13 =	vand.u32 $0xFFFFFC00, v20  }
0xc2: {  	v19 =	vand.u32 $0xFFFFFC00, v19;
	v5 =	vld.msk [tilespmem:s22+$0x2 ss:$0x0], $0xffff;
	v20 =	vand.u32 $0x7F, v10;
	v12 =	vor.u32 v12, v13  }
0xc3: {  	[tilespmem:s20+$0x180] =	vst v7;
	v7 =	vshll.u32 v10, $0x3;
	v10 =	vshll.u32 v9, $0x3;
	v14 =	vld.idx.msk [tilespmem:v14+s11+$0x0], $0xffff;
	v13 =	vadd.s32 v0, v12  }
0xc4: {  	v9 =	vand.u32 $0x7F, v9;
	v16 =	vld.idx.msk [tilespmem:v16+s11+$0x0], $0xffff;
	v23 =	vand.u32 $0xFFFFFC00, v7;
	v7 =	vand.u32 $0xFFFFFC00, v10  }
0xc5: {  	v54 =	vadd.s32 v2, v11;
	v22 =	vor.u32 v22, v19;
	v19 =	vor.u32 v9, v7;
	v7 =	vld.msk [tilespmem:s22+$0xFFFFFFFF ss:$0x0], $0xffff  }
0xc6: {  	v23 =	vor.u32 v20, v23;
	v10 =	vld.idx.msk [tilespmem:v4+s11+$0x0], $0xffff;
	v20 =	vadd.s32 v0, v19;
	v4 =	vshll.u32 v21, $0x3  }
0xc7: {  	v26 =	vadd.s32 v1, v17;
	v9 =	vld.msk [tilespmem:s22+$0x1 ss:$0x0], $0xffff;
	v21 =	vand.u32 $0x7F, v21;
	v4 =	vand.u32 $0xFFFFFC00, v4  }
0xc8: {  	v27 =	vshll.u32 v15, $0x3;
	v4 =	vor.u32 v21, v4;
	[tilespmem:s20+$0xFFFFFE10] =	vst v14;
	v14 =	vadd.s32 v0, v22;
	v13 =	vld.idx.msk [tilespmem:v13+s11+$0x0], $0xffff  }
0xc9: {  	v15 =	vand.u32 $0x7F, v15;
	v21 =	vand.u32 $0xFFFFFC00, v27;
	v55 =	vadd.s32 v0, v4;
	[tilespmem:s20+$0x190] =	vst v16;
	v18 =	vld.idx.msk [tilespmem:v18+s11+$0x0], $0xffff  }
0xca: {  	v15 =	vor.u32 v15, v21;
	v16 =	vadd.s32 v0, v23;
	v21 =	vld.idx.msk [tilespmem:v54+s11+$0x0], $0xffff  }
0xcb: {  	v56 =	vadd.s32 v0, v15;
	[tilespmem:s20+$0x80] =	vst v10;
	v20 =	vld.idx.msk [tilespmem:v20+s11+$0x0], $0xffff  }
0xcc: {  	v8 =	vadd.s32 v3, v8;
	v26 =	vld.idx.msk [tilespmem:v26+s11+$0x0], $0xffff  }
0xcd: {  	v28 =	vadd.s32 v1, v12;
	v14 =	vld.idx.msk [tilespmem:v14+s11+$0x0], $0xffff  }
0xce: {  	v29 =	vadd.s32 v1, v19;
	v10 =	vld.idx.msk [tilespmem:v55+s11+$0x0], $0xffff;
	[tilespmem:s20+$0x0] =	vst v13  }
0xcf: {  	v11 =	vadd.s32 v3, v11;
	v13 =	vld.idx.msk [tilespmem:v16+s11+$0x0], $0xffff;
	[tilespmem:s20+$0xFFFFFE20] =	vst v18  }
0xd0: {  	v57 =	vadd.s32 v2, v17;
	v16 =	vld.idx.msk [tilespmem:v56+s11+$0x0], $0xffff;
	[tilespmem:s20+$0x1A0] =	vst v21  }
0xd1: {  	v21 =	vadd.s32 v1, v15;
	v8 =	vld.idx.msk [tilespmem:v8+s11+$0x0], $0xffff;
	[tilespmem:s20+$0xFFFFFE80] =	vst v20  }
0xd2: {  	v18 =	vadd.s32 v1, v22;
	v20 =	vld.idx.msk [tilespmem:v28+s11+$0x0], $0xffff;
	[tilespmem:s20+$0x90] =	vst v26  }
0xd3: {  	v58 =	vadd.s32 v1, v23;
	v59 =	vld.idx.msk [tilespmem:v29+s11+$0x0], $0xffff;
	[tilespmem:s20+$0x100] =	vst v14  }
0xd4: {  	v60 =	vadd.s32 v2, v19;
	v11 =	vld.idx.msk [tilespmem:v11+s11+$0x0], $0xffff;
	[tilespmem:s20+$0xFFFFFF80] =	vst v13  }
0xd5: {  	v27 =	vld.idx.msk [tilespmem:v57+s11+$0x0], $0xffff;
	v14 =	vadd.s32 v2, v12;
	[tilespmem:s20+$0xFFFFFF00] =	vst v16  }
0xd6: {  	v17 =	vadd.s32 v3, v17;
	[tilespmem:s20+$0xFFFFFE30] =	vst v8;
	v8 =	vld.idx.msk [tilespmem:v21+s11+$0x0], $0xffff  }
0xd7: {  	v13 =	vld.idx.msk [tilespmem:v18+s11+$0x0], $0xffff;
	[tilespmem:s20+$0x10] =	vst v20  }
0xd8: {  	v18 =	vadd.s32 v2, v22;
	v16 =	vld.idx.msk [tilespmem:v58+s11+$0x0], $0xffff;
	[tilespmem:s20+$0xFFFFFE90] =	vst v59  }
0xd9: {  	v21 =	vadd.s32 v2, v23;
	[tilespmem:s20+$0x1B0] =	vst v11;
	v26 =	vld.idx.msk [tilespmem:v60+s11+$0x0], $0xffff  }
0xda: {  	v61 =	vadd.s32 v2, v15;
	[tilespmem:s20+$0xA0] =	vst v27;
	v14 =	vld.idx.msk [tilespmem:v14+s11+$0x0], $0xffff  }
0xdb: {  	v27 =	vld.idx.msk [tilespmem:v17+s11+$0x0], $0xffff;
	[tilespmem:s20+$0xFFFFFF10] =	vst v8;
	v8 =	vshll.u32 v25, $0x3  }
0xdc: {  	v12 =	vadd.s32 v3, v12;
	v11 =	vand.u32 $0x7F, v25;
	v17 =	vld.msk [tilespmem:s22+$0x0 ss:$0x0], $0xffff;
	[tilespmem:s20+$0x110] =	vst v13;
	v8 =	vand.u32 $0xFFFFFC00, v8  }
0xdd: {  	v63 =	vadd.s32 v3, v19;
	[tilespmem:s20+$0xFFFFFF90] =	vst v16;
	v62 =	vld.idx.msk [tilespmem:v18+s11+$0x0], $0xffff;
	v8 =	vor.u32 v11, v8  }
0xde: {  	v20 =	vld.idx.msk [tilespmem:v21+s11+$0x0], $0xffff;
	v21 =	vadd.s32 v0, v8  }
0xdf: {  	v16 =	vadd.s32 v3, v23;
	v18 =	vld.idx.msk [tilespmem:v61+s11+$0x0], $0xffff;
	[tilespmem:s20+$0xFFFFFEA0] =	vst v26  }
0xe0: {  	v19 =	vadd.s32 v3, v15;
	v13 =	vld.msk [tilespmem:s22+$0xFFFFFFFE ss:$0x0], $0xffff;
	[tilespmem:s20+$0x20] =	vst v14  }
0xe1: {  	[tilespmem:s20+$0xB0] =	vst v27;
	v14 =	vld.idx.msk [tilespmem:v12+s11+$0x0], $0xffff;
	v12 =	vadd.s32 v3, v22  }
0xe2: {  	s25 =	simm.s32 $0x8;
	s24 =	smov.u32 s20;
	s23 =	smov.u32 s20;
	v11 =	vadd.s32 v2, v8;
	v15 =	vld.idx.msk [tilespmem:v63+s11+$0x0], $0xffff;
	[tilespmem:s20+$0x120] =	vst v62  }
.LBB2_5:
0xe3: {  	s25 =	sadd.s32 $0x8, s25;
	v21 =	vld.idx.msk [tilespmem:v21+s11+$0x0], $0xffff;
	v22 =	vadd.s32 v1, v8;
	v23 =	vshll.u32 v5, $0x3;
	v24 =	vadd.s32 v1, v4;
	[tilespmem:s23+$0xFFFFFFA0] =	vst v20;
	s24 =	sadd.s32 $0x1000, s24  }
0xe4: {  	v20 =	vshll.u32 v9, $0x3;
	v25 =	vand.u32 $0x7F, v5;
	p0 =	slt.u32 s25, $0x38;
	v23 =	vand.u32 $0xFFFFFC00, v23;
	[tilespmem:s23+$0xFFFFFF20] =	vst v18;
	v16 =	vld.idx.msk [tilespmem:v16+s11+$0x0], $0xffff  }
0xe5: {  	v5 =	vand.u32 $0x7F, v9;
	s22 =	sadd.s32 $0x8, s22;
	v18 =	vand.u32 $0x7F, v17;
	v9 =	vand.u32 $0xFFFFFC00, v20;
	v19 =	vld.idx.msk [tilespmem:v19+s11+$0x0], $0xffff  }
0xe6: {  	v20 =	vand.u32 $0x7F, v7;
	v7 =	vshll.u32 v7, $0x3;
	v26 =	vor.u32 v5, v9;
	[tilespmem:s24+$0x180] =	vst v10;
	v9 =	vld.idx.msk [tilespmem:v12+s11+$0x0], $0xffff  }
0xe7: {  	v7 =	vand.u32 $0xFFFFFC00, v7;
	v10 =	vshll.u32 v17, $0x3;
	v17 =	vadd.s32 v0, v26;
	v5 =	vld.msk [tilespmem:s22+$0x2 ss:$0x0], $0xffff;
	[tilespmem:s23+$0x30] =	vst v14  }
0xe8: {  	v27 =	vshll.u32 v6, $0x3;
	v28 =	vshll.u32 v13, $0x3;
	v12 =	vor.u32 v25, v23;
	v14 =	vld.msk [tilespmem:s22+$0x3 ss:$0x0], $0xffff;
	[tilespmem:s23+$0xFFFFFEB0] =	vst v15  }
0xe9: {  	v20 =	vor.u32 v20, v7;
	v7 =	vand.u32 $0xFFFFFC00, v10;
	v15 =	vld.msk [tilespmem:s22+$0xFFFFFFFD ss:$0x0], $0xffff;
	[tilespmem:s24+$0xFFFFFE00] =	vst v21;
	v21 =	vand.u32 $0xFFFFFC00, v27  }
0xea: {  	v6 =	vand.u32 $0x7F, v6;
	v18 =	vor.u32 v18, v7;
	v10 =	vld.idx.msk [tilespmem:v22+s11+$0x0], $0xffff;
	v22 =	vand.u32 $0xFFFFFC00, v28;
	[tilespmem:s23+$0xFFFFFFB0] =	vst v16  }
0xeb: {  	v21 =	vor.u32 v6, v21;
	v6 =	vand.u32 $0x7F, v13;
	v13 =	vadd.s32 v0, v18;
	v16 =	vld.idx.msk [tilespmem:v24+s11+$0x0], $0xffff;
	[tilespmem:s23+$0xFFFFFF30] =	vst v19  }
0xec: {  	v19 =	vadd.s32 v0, v21;
	v22 =	vor.u32 v6, v22;
	v17 =	vld.idx.msk [tilespmem:v17+s11+$0x0], $0xffff;
	[tilespmem:s23+$0x130] =	vst v9;
	s23 =	smov.u32 s24  }
0xed: {  	v24 =	vadd.s32 v2, v4;
	v23 =	vadd.s32 v0, v22;
	v7 =	vld.msk [tilespmem:s22+$0xFFFFFFFF ss:$0x0], $0xffff  }
0xee: {  	v27 =	vadd.s32 v1, v26;
	v29 =	vshll.u32 v14, $0x3;
	v25 =	vld.msk [tilespmem:s22+$0xFFFFFFFC ss:$0x0], $0xffff  }
0xef: {  	v14 =	vand.u32 $0x7F, v14;
	v28 =	vand.u32 $0xFFFFFC00, v29;
	v6 =	vmov v15;
	v9 =	vld.msk [tilespmem:s22+$0x1 ss:$0x0], $0xffff  }
0xf0: {  	v14 =	vor.u32 v14, v28;
	[tilespmem:s24+$0xFFFFFE10] =	vst v10;
	v13 =	vld.idx.msk [tilespmem:v13+s11+$0x0], $0xffff;
	v10 =	vadd.s32 v0, v12  }
0xf1: {  	v28 =	vadd.s32 v1, v20;
	v15 =	vadd.s32 v0, v14;
	v11 =	vld.idx.msk [tilespmem:v11+s11+$0x0], $0xffff;
	[tilespmem:s24+$0x190] =	vst v16  }
0xf2: {  	v16 =	vadd.s32 v0, v20;
	[tilespmem:s24+$0x80] =	vst v17;
	v17 =	vld.idx.msk [tilespmem:v24+s11+$0x0], $0xffff  }
0xf3: {  	v29 =	vadd.s32 v1, v21;
	v24 =	vadd.s32 v3, v8;
	v19 =	vld.idx.msk [tilespmem:v19+s11+$0x0], $0xffff  }
0xf4: {  	v31 =	vadd.s32 v1, v18;
	v30 =	vadd.s32 v1, v22;
	v8 =	vshll.u32 v25, $0x3;
	v27 =	vld.idx.msk [tilespmem:v27+s11+$0x0], $0xffff  }
0xf5: {  	v32 =	vadd.s32 v2, v26;
	v25 =	vand.u32 $0x7F, v25;
	v8 =	vand.u32 $0xFFFFFC00, v8;
	v33 =	vld.idx.msk [tilespmem:v10+s11+$0x0], $0xffff  }
0xf6: {  	v8 =	vor.u32 v25, v8;
	v10 =	vld.idx.msk [tilespmem:v15+s11+$0x0], $0xffff;
	[tilespmem:s24+$0x0] =	vst v13  }
0xf7: {  	[tilespmem:s24+$0xFFFFFE20] =	vst v11;
	v11 =	vld.idx.msk [tilespmem:v16+s11+$0x0], $0xffff  }
0xf8: {  	v15 =	vadd.s32 v2, v20;
	v16 =	vadd.s32 v1, v12;
	v13 =	vld.idx.msk [tilespmem:v23+s11+$0x0], $0xffff;
	[tilespmem:s24+$0x1A0] =	vst v17  }
0xf9: {  	v17 =	vld.idx.msk [tilespmem:v24+s11+$0x0], $0xffff;
	[tilespmem:s24+$0xFFFFFE80] =	vst v19  }
0xfa: {  	v19 =	vadd.s32 v2, v21;
	v23 =	vld.idx.msk [tilespmem:v31+s11+$0x0], $0xffff;
	[tilespmem:s24+$0x90] =	vst v27  }
0xfb: {  	v25 =	vadd.s32 v2, v22;
	v27 =	vadd.s32 v3, v4;
	v4 =	vmov v14;
	v24 =	vld.idx.msk [tilespmem:v29+s11+$0x0], $0xffff;
	[tilespmem:s24+$0x100] =	vst v33  }
0xfc: {  	v14 =	vadd.s32 v2, v18;
	v29 =	vld.idx.msk [tilespmem:v32+s11+$0x0], $0xffff  }
0xfd: {  	[tilespmem:s24+$0xFFFFFF80] =	vst v11;
	v11 =	vld.idx.msk [tilespmem:v16+s11+$0x0], $0xffff  }
0xfe: {  	v26 =	vadd.s32 v3, v26;
	[tilespmem:s24+$0xFFFFFF00] =	vst v13;
	v13 =	vld.idx.msk [tilespmem:v28+s11+$0x0], $0xffff  }
0xff: {  	v28 =	vadd.s32 v2, v12;
	[tilespmem:s24+$0xFFFFFE30] =	vst v17;
	v17 =	vld.idx.msk [tilespmem:v30+s11+$0x0], $0xffff  }
0x100: {  	v16 =	vadd.s32 v3, v20;
	[tilespmem:s24+$0x10] =	vst v23;
	v23 =	vld.idx.msk [tilespmem:v27+s11+$0x0], $0xffff  }
0x101: {  	[tilespmem:s24+$0xFFFFFE90] =	vst v24;
	v14 =	vld.idx.msk [tilespmem:v14+s11+$0x0], $0xffff  }
0x102: {  	v19 =	vld.idx.msk [tilespmem:v19+s11+$0x0], $0xffff;
	[tilespmem:s24+$0xA0] =	vst v29  }
0x103: {  	v24 =	vadd.s32 v3, v18;
	v26 =	vld.idx.msk [tilespmem:v26+s11+$0x0], $0xffff;
	[tilespmem:s24+$0x110] =	vst v11  }
0x104: {  	[tilespmem:s24+$0xFFFFFF90] =	vst v13;
	v27 =	vld.idx.msk [tilespmem:v28+s11+$0x0], $0xffff  }
0x105: {  	v28 =	vadd.s32 v3, v21;
	[tilespmem:s24+$0xFFFFFF10] =	vst v17;
	v20 =	vld.idx.msk [tilespmem:v15+s11+$0x0], $0xffff  }
.Ltmp1:
0x106: {  	v21 =	vadd.s32 v0, v8;
	v18 =	vld.idx.msk [tilespmem:v25+s11+$0x0], $0xffff;
	[tilespmem:s24+$0x1B0] =	vst v23;
	(pc) =	sbr.rel @p0 .LBB2_5-.Ltmp1, $4  }
0x107: {  	v17 =	vld.msk [tilespmem:s22+$0x0 ss:$0x0], $0xffff;
	[tilespmem:s24+$0x20] =	vst v14  }
0x108: {  	v12 =	vadd.s32 v3, v12;
	[tilespmem:s24+$0xFFFFFEA0] =	vst v19;
	v19 =	vadd.s32 v3, v22;
	v14 =	vld.idx.msk [tilespmem:v24+s11+$0x0], $0xffff  }
0x109: {  	v13 =	vld.msk [tilespmem:s22+$0xFFFFFFFE ss:$0x0], $0xffff;
	[tilespmem:s24+$0xB0] =	vst v26  }
0x10a: {  	v11 =	vadd.s32 v2, v8;
	v15 =	vld.idx.msk [tilespmem:v28+s11+$0x0], $0xffff;
	[tilespmem:s24+$0x120] =	vst v27  }
0x10b: {  	_ = 	snop  }
0x10c: {  	v22 =	vadd.s32 v1, v8;
	v23 =	vshll.u32 v9, $0x3;
	v24 =	vadd.s32 v1, v4  }
0x10d: {  	v26 =	vand.u32 $0x7F, v9;
	v30 =	vshll.u32 v5, $0x3;
	v32 =	vshll.u32 v6, $0x3  }
0x10e: {  	v34 =	vand.u32 $0x7F, v7;
	v35 =	vand.u32 $0x7F, v6;
	v36 =	vshll.u32 v7, $0x3  }
0x10f: {  	v21 =	vld.idx.msk [tilespmem:v21+s11+$0x0], $0xffff;
	s22 =	sadd.s32 $0x1000, s24;
	v37 =	vadd.s32 v2, v4;
	v23 =	vand.u32 $0xFFFFFC00, v23;
	v27 =	vshll.u32 v17, $0x3  }
0x110: {  	v28 =	vand.u32 $0x7F, v17;
	[tilespmem:s22+$0x180] =	vst v10;
	v10 =	vand.u32 $0xFFFFFC00, v32;
	v9 =	vor.u32 v26, v23  }
0x111: {  	[tilespmem:s23+$0xFFFFFFA0] =	vst v20;
	v12 =	vld.idx.msk [tilespmem:v12+s11+$0x0], $0xffff;
	v7 =	vand.u32 $0xFFFFFC00, v36;
	v6 =	vor.u32 v35, v10;
	v29 =	vadd.s32 v0, v9  }
0x112: {  	[tilespmem:s23+$0xFFFFFF20] =	vst v18;
	v16 =	vld.idx.msk [tilespmem:v16+s11+$0x0], $0xffff;
	v20 =	vand.u32 $0xFFFFFC00, v27;
	v7 =	vor.u32 v34, v7;
	v39 =	vadd.s32 v0, v6  }
0x113: {  	v5 =	vand.u32 $0x7F, v5;
	v19 =	vld.idx.msk [tilespmem:v19+s11+$0x0], $0xffff;
	[tilespmem:s23+$0x30] =	vst v14;
	v17 =	vor.u32 v28, v20;
	v44 =	vadd.s32 v0, v7  }
0x114: {  	v31 =	vand.u32 $0xFFFFFC00, v30;
	v38 =	vshll.u32 v13, $0x3;
	v33 =	vadd.s32 v0, v17;
	[tilespmem:s22+$0xFFFFFE00] =	vst v21;
	v24 =	vld.idx.msk [tilespmem:v24+s11+$0x0], $0xffff  }
0x115: {  	v5 =	vor.u32 v5, v31;
	v41 =	vand.u32 $0x7F, v13;
	[tilespmem:s23+$0xFFFFFEB0] =	vst v15;
	v14 =	vand.u32 $0xFFFFFC00, v38;
	v21 =	vld.idx.msk [tilespmem:v22+s11+$0x0], $0xffff  }
0x116: {  	v43 =	vadd.s32 v0, v5;
	v13 =	vor.u32 v41, v14;
	[tilespmem:s23+$0x130] =	vst v12;
	v18 =	vld.idx.msk [tilespmem:v29+s11+$0x0], $0xffff  }
0x117: {  	[tilespmem:s23+$0xFFFFFFB0] =	vst v16;
	v45 =	vadd.s32 v0, v13;
	v15 =	vld.idx.msk [tilespmem:v39+s11+$0x0], $0xffff  }
0x118: {  	[tilespmem:s23+$0xFFFFFF30] =	vst v19;
	v50 =	vld.idx.msk [tilespmem:v44+s11+$0x0], $0xffff  }
0x119: {  	v40 =	vadd.s32 v1, v9;
	v42 =	vld.idx.msk [tilespmem:v33+s11+$0x0], $0xffff;
	[tilespmem:s22+$0x190] =	vst v24  }
0x11a: {  	v48 =	vadd.s32 v1, v6;
	[tilespmem:s22+$0xFFFFFE10] =	vst v21;
	v10 =	vld.idx.msk [tilespmem:v37+s11+$0x0], $0xffff  }
0x11b: {  	v51 =	vadd.s32 v1, v7;
	v21 =	vld.idx.msk [tilespmem:v43+s11+$0x0], $0xffff;
	[tilespmem:s22+$0x80] =	vst v18  }
0x11c: {  	v47 =	vadd.s32 v1, v17;
	v19 =	vld.idx.msk [tilespmem:v45+s11+$0x0], $0xffff;
	[tilespmem:s22+$0xFFFFFE80] =	vst v15  }
0x11d: {  	v52 =	vadd.s32 v1, v13;
	v11 =	vld.idx.msk [tilespmem:v11+s11+$0x0], $0xffff;
	[tilespmem:s22+$0xFFFFFF80] =	vst v50  }
0x11e: {  	v53 =	vadd.s32 v1, v5;
	v16 =	vld.idx.msk [tilespmem:v40+s11+$0x0], $0xffff;
	[tilespmem:s22+$0x0] =	vst v42  }
0x11f: {  	v4 =	vadd.s32 v3, v4;
	v54 =	vld.idx.msk [tilespmem:v48+s11+$0x0], $0xffff;
	[tilespmem:s22+$0x1A0] =	vst v10  }
0x120: {  	v46 =	vadd.s32 v3, v8;
	v14 =	vld.idx.msk [tilespmem:v51+s11+$0x0], $0xffff;
	[tilespmem:s22+$0x100] =	vst v21  }
0x121: {  	v49 =	vadd.s32 v2, v9;
	v12 =	vld.idx.msk [tilespmem:v47+s11+$0x0], $0xffff;
	[tilespmem:s22+$0xFFFFFF00] =	vst v19  }
0x122: {  	v56 =	vadd.s32 v2, v6;
	[tilespmem:s22+$0xFFFFFE20] =	vst v11;
	v58 =	vld.idx.msk [tilespmem:v52+s11+$0x0], $0xffff  }
0x123: {  	v57 =	vadd.s32 v2, v7;
	v15 =	vld.idx.msk [tilespmem:v53+s11+$0x0], $0xffff;
	[tilespmem:s22+$0x90] =	vst v16  }
0x124: {  	v55 =	vadd.s32 v2, v17;
	v4 =	vld.idx.msk [tilespmem:v4+s11+$0x0], $0xffff;
	[tilespmem:s22+$0xFFFFFE90] =	vst v54  }
0x125: {  	v59 =	vadd.s32 v2, v13;
	v8 =	vld.idx.msk [tilespmem:v46+s11+$0x0], $0xffff;
	[tilespmem:s22+$0xFFFFFF90] =	vst v14  }
0x126: {  	v60 =	vadd.s32 v2, v5;
	v20 =	vld.idx.msk [tilespmem:v49+s11+$0x0], $0xffff;
	[tilespmem:s22+$0x10] =	vst v12  }
0x127: {  	v9 =	vadd.s32 v3, v9;
	v11 =	vld.idx.msk [tilespmem:v56+s11+$0x0], $0xffff;
	[tilespmem:s22+$0xFFFFFF10] =	vst v58  }
0x128: {  	v6 =	vadd.s32 v3, v6;
	v62 =	vld.idx.msk [tilespmem:v57+s11+$0x0], $0xffff;
	[tilespmem:s22+$0x110] =	vst v15  }
0x129: {  	v7 =	vadd.s32 v3, v7;
	v61 =	vld.idx.msk [tilespmem:v55+s11+$0x0], $0xffff;
	[tilespmem:s22+$0x1B0] =	vst v4  }
0x12a: {  	v17 =	vadd.s32 v3, v17;
	[tilespmem:s22+$0xFFFFFE30] =	vst v8;
	v10 =	vld.idx.msk [tilespmem:v59+s11+$0x0], $0xffff  }
0x12b: {  	v4 =	vadd.s32 v3, v13;
	v12 =	vld.idx.msk [tilespmem:v60+s11+$0x0], $0xffff;
	[tilespmem:s22+$0xA0] =	vst v20  }
0x12c: {  	v5 =	vadd.s32 v3, v5;
	[tilespmem:s22+$0xFFFFFEA0] =	vst v11;
	v9 =	vld.idx.msk [tilespmem:v9+s11+$0x0], $0xffff  }
0x12d: {  	[tilespmem:s22+$0xFFFFFFA0] =	vst v62;
	v6 =	vld.idx.msk [tilespmem:v6+s11+$0x0], $0xffff  }
0x12e: {  	[tilespmem:s22+$0x20] =	vst v61;
	v7 =	vld.idx.msk [tilespmem:v7+s11+$0x0], $0xffff  }
0x12f: {  	v63 =	vld.idx.msk [tilespmem:v17+s11+$0x0], $0xffff;
	[tilespmem:s22+$0xFFFFFF20] =	vst v10  }
0x130: {  	s21 =	sadd.s32 $0x1, s21;
	[tilespmem:s22+$0x120] =	vst v12;
	v4 =	vld.idx.msk [tilespmem:v4+s11+$0x0], $0xffff  }
0x131: {  	p0 =	sne.s32 s21, $0x4;
	v5 =	vld.idx.msk [tilespmem:v5+s11+$0x0], $0xffff;
	[tilespmem:s22+$0xB0] =	vst v9  }
.Ltmp2:
0x132: {  	[tilespmem:s22+$0xFFFFFEB0] =	vst v6;
	(pc) =	sbr.rel @p0 .LBB2_2-.Ltmp2, $4  }
0x133: {  	[tilespmem:s22+$0xFFFFFFB0] =	vst v7  }
0x134: {  	[tilespmem:s22+$0x30] =	vst v63  }
0x135: {  	[tilespmem:s22+$0xFFFFFF30] =	vst v4  }
0x136: {  	s19 =	sadd.s32 $0x400, s19;
	s20 =	sadd.s32 $0x400, s20;
	[tilespmem:s22+$0x130] =	vst v5  }
0x137: {  	_ =	swait.ge [sflag:s12], $0x8000;
	s18 =	sadd.s32 $0x1, s18  }
0x138: {  	[sflag:s12] =	ssyncset.done $0x0;
	p0 =	sne.s32 s18, s8  }
.Ltmp3:
0x139: {  	[sflag:s12] =	ssyncadd.s32 $0xFFFF8000;
	(pc) =	sbr.rel @p0 .LBB2_1-.Ltmp3, $4  }
0x13a: {  	[hbm4b:s7+s14] =	stream.strided.scatter [tilespmem:s16], [sflag:$0x3], $0x8000, s15, s14, $0x38;
	[tilespmem:$0x18080] =	vst v63  }
0x13b: {  	_ =	swait.ge [sflag:s17], $0x8000  }
0x13c: {  	[sflag:s17] =	ssyncset.done $0x0  }
0x13d: {  	[sflag:s17] =	ssyncadd.s32 $0xFFFF8000  }
0x13e: {  	_ =	sfence.sel $0x180000  }
0x13f: {  	[bflag:$0x0] =	sbarrier.arrive $0xFFFF  }
0x140: {  	p0 =	sne.s32 s2, $0x0;
	_ =	strace $0x90000047  }
0x141: {  	s0 =	sadd.s32 @!p0 $0x100000, s3;
	[bflag:$0x2] =	sbarrier.arrive $0xFFFF  }
0x142: {  	[sflag:s0] =	ssyncadd.tile.s32 @!p0 $0x1;
	_ =	shalt  }
.Lfunc_end2:
_tile_overlayer_lowered:
.L_overlay_start_2:
0x143: {  	(tag) =	ssettag $0x2  }
0x144: {  	s0 =	rddreg [dreg:$0x0];
	s2 =	stileid.u32  }
0x145: {  	s1 =	rddreg [dreg:$0x1];
	p0 =	sne.s32 s2, $0x0  }
0x146: {  	s3 =	rddreg [dreg:$0x2];
	[bflag:$0x3] =	sbarrier.arrive $0xFFFF;
	s2 =	simm.s32 @!p0 $0x1C04  }
0x147: {  	[timem:s3], [sflag:s2] =	dma.local @!p0 [hbm:s0], s1  }
0x148: {  	s0 =	simm.s32 @!p0 $0x4  }
0x149: {  	_ =	swait.ge @!p0 [sflag:s0], s1  }
0x14a: {  	s1 =	ssub.s32 @!p0 $0x0, s1;
	[sflag:s0] =	ssyncset.done @!p0 $0x0  }
0x14b: {  	[sflag:s0] =	ssyncadd.s32 @!p0 s1  }
0x14c: {  	[bflag:$0x3] =	sbarrier.arrive $0xFFFF  }
0x14d: {  	_ =	shalt  }

</sc_bundles>
